<compile_context>
chip_gen: v7x
topology: tpu7x:2x2x1
jax: 0.10.2.dev20260603
libtpu: 0.0.44.dev20260713+nightly
codegen_flags: <defaults>
</compile_context>

<pallas_src>
import functools

import jax
import jax.numpy as jnp
from jax import lax
from jax.experimental import pallas as pl
from jax.experimental.pallas import tpu as pltpu
from jax.experimental.pallas import tpu_sc as plsc

N = 10000
E = 320000
D = 128
G = 128

NC = 2
NS = 16
NW = NC * NS
EPW = E // NW
CH = 100
NCHUNK = EPW // CH
DEPTH = 3
NPAD = 10240
RPT = NPAD // NS


def _sc_agg_kernel(x_hbm, idx_hbm, zeros_hbm, out_hbm,
                   idx_v, rows_v, acc_sh,
                   gsem0, gsem1, gsem2, isem0, isem1, isem2, zsem):
    c = lax.axis_index("c")
    s = lax.axis_index("s")
    w = s * NC + c

    pltpu.async_copy(zeros_hbm, acc_sh.at[pl.ds(s * RPT, RPT)], zsem)

    rows = tuple(rows_v.at[pl.ds(k * CH, CH)] for k in range(DEPTH))
    islot = tuple(idx_v.at[k] for k in range(DEPTH))
    gsem = (gsem0, gsem1, gsem2)
    isem = (isem0, isem1, isem2)

    def stage_idx(j, p):
        pltpu.async_copy(idx_hbm.at[w].at[j], islot[p].at[0], isem[p])
        pltpu.async_copy(idx_hbm.at[NW + w].at[j], islot[p].at[1], isem[p])

    def wait_idx(j, p):
        pltpu.make_async_copy(idx_hbm.at[w].at[j], islot[p].at[0], isem[p]).wait()
        pltpu.make_async_copy(idx_hbm.at[NW + w].at[j], islot[p].at[1], isem[p]).wait()

    def gather(p):
        pltpu.async_copy(x_hbm.at[islot[p].at[0]], rows[p], gsem[p])

    def wait_gather(p):
        pltpu.make_async_copy(x_hbm.at[islot[p].at[0]], rows[p], gsem[p]).wait()

    def scatter(p):
        pltpu.sync_copy(rows[p], acc_sh.at[islot[p].at[1]], add=True)

    stage_idx(0, 0)
    stage_idx(1, 1)
    wait_idx(0, 0)
    gather(0)
    wait_idx(1, 1)
    gather(1)
    stage_idx(2, 2)
    pltpu.make_async_copy(zeros_hbm, acc_sh.at[pl.ds(s * RPT, RPT)], zsem).wait()
    plsc.subcore_barrier()

    def step(j, a, do_gather=True, do_stage=True):
        if do_gather:
            cslot = (a + 2) % DEPTH
            wait_idx(j + 2, cslot)
            gather(cslot)
        wait_gather(a)
        scatter(a)
        if do_stage:
            stage_idx(j + 3, a)

    def body(j3, carry):
        j = j3 * DEPTH
        step(j, 0)
        step(j + 1, 1)
        step(j + 2, 2)
        return carry

    lax.fori_loop(0, (NCHUNK - 4) // DEPTH, body, 0)
    step(NCHUNK - 4, (NCHUNK - 4) % DEPTH)
    step(NCHUNK - 3, (NCHUNK - 3) % DEPTH, do_stage=False)
    step(NCHUNK - 2, (NCHUNK - 2) % DEPTH, do_gather=False, do_stage=False)
    step(NCHUNK - 1, (NCHUNK - 1) % DEPTH, do_gather=False, do_stage=False)

    plsc.subcore_barrier()

    pltpu.sync_copy(acc_sh.at[pl.ds(s * RPT, RPT)],
                    out_hbm.at[pl.ds(c * NPAD + s * RPT, RPT)])


@functools.partial(jax.jit, static_argnames=())
def _sc_agg(x, idx4d, zeros):
    mesh = plsc.VectorSubcoreMesh(core_axis_name="c", subcore_axis_name="s",
                                  num_cores=NC, num_subcores=NS)
    f = pl.kernel(
        _sc_agg_kernel,
        out_type=jax.ShapeDtypeStruct((NC * NPAD, D), jnp.float32),
        mesh=mesh,
        scratch_types=[
            pltpu.VMEM((DEPTH, 2, CH), jnp.int32),
            pltpu.VMEM((DEPTH * CH, D), jnp.float32),
            pltpu.VMEM_SHARED((NPAD, D), jnp.float32),
            pltpu.SemaphoreType.DMA,
            pltpu.SemaphoreType.DMA,
            pltpu.SemaphoreType.DMA,
            pltpu.SemaphoreType.DMA,
            pltpu.SemaphoreType.DMA,
            pltpu.SemaphoreType.DMA,
            pltpu.SemaphoreType.DMA,
        ],
    )
    return f(x, idx4d, zeros)


RB = 1000


def _mlp_kernel(batch_ref, h_ref, a0_ref, a1_ref, w1_ref, b1_ref,
                w2_ref, b2_ref, out_ref, pool_ref, acc):
    i = pl.program_id(0)
    z = h_ref[...] + a0_ref[...] + a1_ref[...]
    y = jnp.dot(z, w1_ref[...], preferred_element_type=jnp.float32) + b1_ref[...]
    y = jnp.maximum(y, 0.0)
    o = jnp.dot(y, w2_ref[...], preferred_element_type=jnp.float32) + b2_ref[...]
    o = jnp.maximum(o, 0.0)
    out_ref[...] = o

    ids = batch_ref[0, 0, :]
    gids = lax.broadcasted_iota(jnp.int32, (G, RB), 0)
    onehot_t = (gids == ids[None, :]).astype(jnp.float32)
    contrib = jnp.dot(onehot_t, o, preferred_element_type=jnp.float32)

    @pl.when(i == 0)
    def _init():
        acc[...] = jnp.zeros_like(acc)

    acc[...] += contrib

    @pl.when(i == (N // RB) - 1)
    def _flush():
        pool_ref[...] = acc[...]


def _mlp(batch3d, h, a0, a1, w1, b1, w2, b2):
    grid = N // RB
    return pl.pallas_call(
        _mlp_kernel,
        grid=(grid,),
        in_specs=[
            pl.BlockSpec((1, 1, RB), lambda i: (i, 0, 0)),
            pl.BlockSpec((RB, D), lambda i: (i, 0)),
            pl.BlockSpec((RB, D), lambda i: (i, 0)),
            pl.BlockSpec((RB, D), lambda i: (i, 0)),
            pl.BlockSpec((D, D), lambda i: (0, 0)),
            pl.BlockSpec((1, D), lambda i: (0, 0)),
            pl.BlockSpec((D, D), lambda i: (0, 0)),
            pl.BlockSpec((1, D), lambda i: (0, 0)),
        ],
        out_specs=[
            pl.BlockSpec((RB, D), lambda i: (i, 0)),
            pl.BlockSpec((G, D), lambda i: (0, 0)),
        ],
        out_shape=[
            jax.ShapeDtypeStruct((N, D), jnp.float32),
            jax.ShapeDtypeStruct((G, D), jnp.float32),
        ],
        scratch_shapes=[pltpu.VMEM((G, D), jnp.float32)],
    )(batch3d, h, a0, a1, w1, b1.reshape(1, D), w2, b2.reshape(1, D))


def _mlp_final_kernel(batch_ref, h_ref, a0_ref, a1_ref, w1_ref, b1_ref,
                      w2_ref, b2_ref, p1_ref, p2_ref,
                      w1a_ref, w1b_ref, w1c_ref, bc1_ref,
                      gb_ref, wc2_ref, bc2_ref, out_ref, acc):
    i = pl.program_id(0)
    z = h_ref[...] + a0_ref[...] + a1_ref[...]
    y = jnp.dot(z, w1_ref[...], preferred_element_type=jnp.float32) + b1_ref[...]
    y = jnp.maximum(y, 0.0)
    o = jnp.dot(y, w2_ref[...], preferred_element_type=jnp.float32) + b2_ref[...]
    o = jnp.maximum(o, 0.0)

    ids = batch_ref[0, 0, :]
    gids = lax.broadcasted_iota(jnp.int32, (G, RB), 0)
    onehot_t = (gids == ids[None, :]).astype(jnp.float32)
    contrib = jnp.dot(onehot_t, o, preferred_element_type=jnp.float32)

    @pl.when(i == 0)
    def _init():
        acc[...] = jnp.zeros_like(acc)

    acc[...] += contrib

    @pl.when(i == (N // RB) - 1)
    def _final():
        zc = (jnp.dot(p1_ref[...], w1a_ref[...], preferred_element_type=jnp.float32)
              + jnp.dot(p2_ref[...], w1b_ref[...], preferred_element_type=jnp.float32)
              + jnp.dot(acc[...], w1c_ref[...], preferred_element_type=jnp.float32)
              + bc1_ref[...])
        gamma = gb_ref[0:1, :]
        beta = gb_ref[1:2, :]
        zc = gamma * zc * (1.0 / jnp.sqrt(1.0 + 1e-5)) + beta
        zc = jnp.maximum(zc, 0.0)
        out_ref[...] = jnp.dot(zc, wc2_ref[...], preferred_element_type=jnp.float32) + bc2_ref[...]


def _mlp_final(batch3d, h, a0, a1, w1, b1, w2, b2, p1, p2,
               w1a, w1b, w1c, bc1, gb, wc2p, bc2p):
    grid = N // RB
    full = lambda i: (0, 0)
    return pl.pallas_call(
        _mlp_final_kernel,
        grid=(grid,),
        in_specs=[
            pl.BlockSpec((1, 1, RB), lambda i: (i, 0, 0)),
            pl.BlockSpec((RB, D), lambda i: (i, 0)),
            pl.BlockSpec((RB, D), lambda i: (i, 0)),
            pl.BlockSpec((RB, D), lambda i: (i, 0)),
            pl.BlockSpec((D, D), full),
            pl.BlockSpec((1, D), full),
            pl.BlockSpec((D, D), full),
            pl.BlockSpec((1, D), full),
            pl.BlockSpec((G, D), full),
            pl.BlockSpec((G, D), full),
            pl.BlockSpec((D, D), full),
            pl.BlockSpec((D, D), full),
            pl.BlockSpec((D, D), full),
            pl.BlockSpec((1, D), full),
            pl.BlockSpec((2, D), full),
            pl.BlockSpec((D, D), full),
            pl.BlockSpec((1, D), full),
        ],
        out_specs=pl.BlockSpec((G, D), full),
        out_shape=jax.ShapeDtypeStruct((G, D), jnp.float32),
        scratch_shapes=[pltpu.VMEM((G, D), jnp.float32)],
    )(batch3d, h, a0, a1, w1, b1.reshape(1, D), w2, b2.reshape(1, D),
      p1, p2, w1a, w1b, w1c, bc1, gb, wc2p, bc2p)


def kernel(x, edge_index, edge_attr, batch,
           W1_0, b1_0, W2_0, b2_0,
           W1_1, b1_1, W2_1, b2_1,
           W1_2, b1_2, W2_2, b2_2,
           Wc1, bc1, gamma, beta, Wc2, bc2):
    del edge_attr

    eidx3d = edge_index.reshape(2 * NW, NCHUNK, CH)
    zeros = jnp.zeros((RPT, D), dtype=jnp.float32)
    batch3d = batch.reshape(N // RB, 1, RB)

    params = [(W1_0, b1_0, W2_0, b2_0),
              (W1_1, b1_1, W2_1, b2_1),
              (W1_2, b1_2, W2_2, b2_2)]

    w1a = Wc1[0:D]
    w1b = Wc1[D:2 * D]
    w1c = Wc1[2 * D:]
    gb = jnp.stack([gamma, beta], axis=0)
    wc2p = jnp.zeros((D, D), jnp.float32).at[:, :Wc2.shape[1]].set(Wc2)
    bc2p = jnp.zeros((1, D), jnp.float32).at[0, :Wc2.shape[1]].set(bc2)

    h = x
    pooled = []
    for (w1, b1, w2, b2) in params[:2]:
        agg = _sc_agg(h, eidx3d, zeros)
        h, p = _mlp(batch3d, h, agg[:N], agg[NPAD:NPAD + N], w1, b1, w2, b2)
        pooled.append(p)

    (w1, b1, w2, b2) = params[2]
    agg = _sc_agg(h, eidx3d, zeros)
    out = _mlp_final(batch3d, h, agg[:N], agg[NPAD:NPAD + N], w1, b1, w2, b2,
                     pooled[0], pooled[1], w1a, w1b, w1c,
                     bc1.reshape(1, D), gb, wc2p, bc2p)
    return out[:, :Wc2.shape[1]]

# --- scband reference (transcript-rebuilt; emitter-appended) ---
"""Pipeline reference for scband-ginmodel-79517024518682 (READ-ONLY COPY).

The authoritative reference and input builder live on the scoring server;
editing this copy changes nothing except your own understanding.
"""

import jax, jax.numpy as jnp
import numpy as np

N = 10000
E = 320000
D = 128
H = 128
G = 128
C = 2


def setup_inputs(seed: int = 0) -> dict:
    key = jax.random.key(seed)
    ks = jax.random.split(key, 24)
    inp = {}
    inp["x"] = jax.random.normal(ks[0], (N, D), dtype=jnp.float32)
    inp["edge_index"] = jax.random.randint(ks[1], (2, E), 0, N, dtype=jnp.int32)
    inp["edge_attr"] = jax.random.normal(ks[2], (E,), dtype=jnp.float32)
    inp["batch"] = jnp.sort(jax.random.randint(ks[3], (N,), 0, G, dtype=jnp.int32))
    # GINConv MLP params: 3 layers, each MLP([in, H, H]) with ReLU between
    kidx = 4
    for l in range(3):
        d_in = D if l == 0 else H
        inp[f"W1_{l}"] = jax.random.normal(ks[kidx], (d_in, H), dtype=jnp.float32) * (1.0 / np.sqrt(d_in)); kidx += 1
        inp[f"b1_{l}"] = jnp.zeros((H,), dtype=jnp.float32)
        inp[f"W2_{l}"] = jax.random.normal(ks[kidx], (H, H), dtype=jnp.float32) * (1.0 / np.sqrt(H)); kidx += 1
        inp[f"b2_{l}"] = jnp.zeros((H,), dtype=jnp.float32)
    # classifier MLP: Linear(3H -> H), BatchNorm (eval), ReLU, Linear(H -> C)
    inp["Wc1"] = jax.random.normal(ks[kidx], (3 * H, H), dtype=jnp.float32) * (1.0 / np.sqrt(3 * H)); kidx += 1
    inp["bc1"] = jnp.zeros((H,), dtype=jnp.float32)
    inp["gamma"] = jnp.ones((H,), dtype=jnp.float32)
    inp["beta"] = jnp.zeros((H,), dtype=jnp.float32)
    inp["Wc2"] = jax.random.normal(ks[kidx], (H, C), dtype=jnp.float32) * (1.0 / np.sqrt(H)); kidx += 1
    inp["bc2"] = jnp.zeros((C,), dtype=jnp.float32)
    return inp


def reference(x, edge_index, edge_attr, batch,
              W1_0, b1_0, W2_0, b2_0,
              W1_1, b1_1, W2_1, b2_1,
              W1_2, b1_2, W2_2, b2_2,
              Wc1, bc1, gamma, beta, Wc2, bc2):
    # NOTE: GINConv in PyG ignores edge_weight, so edge_attr has no effect (faithful).
    src = edge_index[0]
    dst = edge_index[1]

    def gin_conv(h, W1, b1, W2, b2):
        # sum aggregation of neighbor messages (scatter-add by dst)
        agg = jax.ops.segment_sum(h[src], dst, num_segments=N)
        z = (1.0 + 0.0) * h + agg  # eps = 0, train_eps=False
        z = jnp.maximum(z @ W1 + b1, 0.0)
        return z @ W2 + b2

    params = [(W1_0, b1_0, W2_0, b2_0), (W1_1, b1_1, W2_1, b2_1), (W1_2, b1_2, W2_2, b2_2)]
    xs = []
    h = x
    for (W1, b1, W2, b2) in params:
        h = gin_conv(h, W1, b1, W2, b2)
        h = jnp.maximum(h, 0.0)  # inter-layer act (applied on all layers since jk='cat')
        xs.append(h)
    h = jnp.concatenate(xs, axis=1)  # jk='cat' -> [N, 3H]

    # global_add_pool
    pooled = jax.ops.segment_sum(h, batch, num_segments=G)

    # classifier MLP with batch_norm (eval mode: running mean=0, var=1)
    z = pooled @ Wc1 + bc1
    z = gamma * z / jnp.sqrt(1.0 + 1e-5) + beta
    z = jnp.maximum(z, 0.0)
    out = z @ Wc2 + bc2
    return out

if __name__ == "__main__":
    import jax
    _d = setup_inputs()
    print(jax.jit(kernel)(*tuple(_d.values())))

</pallas_src>

<mosaic_0001>
#map = affine_map<(d0, d1) -> (0, 0)>
#map1 = affine_map<(d0, d1) -> (0, 0, 0)>
module attributes {stable_mosaic.version = 14 : i64} {
  func.func @_sc_agg_kernel(%arg0: i32, %arg1: i32, %arg2: memref<10000x128xf32, #tpu.memory_space<hbm>>, %arg3: memref<64x100x100xi32, #tpu.memory_space<hbm>>, %arg4: memref<640x128xf32, #tpu.memory_space<hbm>>, %arg5: memref<20480x128xf32, #tpu.memory_space<hbm>>, %arg6: memref<3x2x100xi32, #tpu.memory_space<vmem>>, %arg7: memref<300x128xf32, #tpu.memory_space<vmem>>, %arg8: memref<10240x128xf32, #tpu.memory_space<vmem_shared>>, %arg9: memref<!tpu.dma_semaphore, #tpu.memory_space<semaphore_mem>>, %arg10: memref<!tpu.dma_semaphore, #tpu.memory_space<semaphore_mem>>, %arg11: memref<!tpu.dma_semaphore, #tpu.memory_space<semaphore_mem>>, %arg12: memref<!tpu.dma_semaphore, #tpu.memory_space<semaphore_mem>>, %arg13: memref<!tpu.dma_semaphore, #tpu.memory_space<semaphore_mem>>, %arg14: memref<!tpu.dma_semaphore, #tpu.memory_space<semaphore_mem>>, %arg15: memref<!tpu.dma_semaphore, #tpu.memory_space<semaphore_mem>>) attributes {dimension_semantics = [#tpu.dimension_semantics<core_parallel>, #tpu.dimension_semantics<subcore_parallel>], iteration_bounds = array<i64: 2, 16>, scalar_prefetch = 0 : i64, scratch_operands = 10 : i64, tpu.core_type = #tpu.core_type<sc_vector_subcore>, window_params = [{transform_indices = #map}, {transform_indices = #map1}, {transform_indices = #map}, {transform_indices = #map}]} {
    %mul3A = arith.constant 2 : i32
    %mul3A_0 = arith.muli %arg1, %mul3A : i32
    %add3A = arith.addi %mul3A_0, %arg0 : i32
    %mul3A_1 = arith.constant 640 : i32
    %mul3A_2 = arith.muli %arg1, %mul3A_1 : i32
    %dma_start3A = arith.constant 0 : i32
    %dma_start3A_3 = tpu.memref_slice %arg8[%mul3A_2, %dma_start3A] : memref<10240x128xf32, #tpu.memory_space<vmem_shared>> -> memref<640x128xf32, #tpu.memory_space<vmem_shared>>
    tpu.enqueue_dma source(%arg4 : memref<640x128xf32, #tpu.memory_space<hbm>>) target(%dma_start3A_3 : memref<640x128xf32, #tpu.memory_space<vmem_shared>>) target_semaphore(%arg15 : memref<!tpu.dma_semaphore, #tpu.memory_space<semaphore_mem>>)
    %dma_start3A_4 = arith.constant 0 : i32
    %dma_start3A_5 = arith.constant 0 : i32
    %dma_start3A_6 = arith.constant 0 : i32
    %dma_start3A_7 = arith.constant 0 : i32
    %dma_start3A_8 = arith.constant 0 : i32
    %dma_start3A_9 = tpu.memref_slice %arg6[%dma_start3A_5, %dma_start3A_7, %dma_start3A_8] : memref<3x2x100xi32, #tpu.memory_space<vmem>> -> memref<1x2x100xi32, #tpu.memory_space<vmem>>
    %dma_start3A_10 = tpu.memref_squeeze %dma_start3A_9 : memref<1x2x100xi32, #tpu.memory_space<vmem>> -> memref<2x100xi32, #tpu.memory_space<vmem>>
    %dma_start3A_11 = arith.constant 0 : i32
    %dma_start3A_12 = tpu.memref_slice %dma_start3A_10[%dma_start3A_6, %dma_start3A_11] : memref<2x100xi32, #tpu.memory_space<vmem>> -> memref<1x100xi32, #tpu.memory_space<vmem>>
    %dma_start3A_13 = tpu.memref_squeeze %dma_start3A_12 : memref<1x100xi32, #tpu.memory_space<vmem>> -> memref<100xi32, #tpu.memory_space<vmem>>
    %dma_start3A_14 = arith.constant 0 : i32
    %dma_start3A_15 = arith.constant 0 : i32
    %dma_start3A_16 = tpu.memref_slice %arg3[%add3A, %dma_start3A_14, %dma_start3A_15] : memref<64x100x100xi32, #tpu.memory_space<hbm>> -> memref<1x100x100xi32, #tpu.memory_space<hbm>>
    %dma_start3A_17 = tpu.memref_squeeze %dma_start3A_16 : memref<1x100x100xi32, #tpu.memory_space<hbm>> -> memref<100x100xi32, #tpu.memory_space<hbm>>
    %dma_start3A_18 = arith.constant 0 : i32
    %dma_start3A_19 = tpu.memref_slice %dma_start3A_17[%dma_start3A_4, %dma_start3A_18] : memref<100x100xi32, #tpu.memory_space<hbm>> -> memref<1x100xi32, #tpu.memory_space<hbm>>
    %dma_start3A_20 = tpu.memref_squeeze %dma_start3A_19 : memref<1x100xi32, #tpu.memory_space<hbm>> -> memref<100xi32, #tpu.memory_space<hbm>>
    %dma_start3A_21 = arith.constant 0 : i32
    %dma_start3A_22 = arith.constant 0 : i32
    %dma_start3A_23 = tpu.memref_slice %arg6[%dma_start3A_5, %dma_start3A_21, %dma_start3A_22] : memref<3x2x100xi32, #tpu.memory_space<vmem>> -> memref<1x2x100xi32, #tpu.memory_space<vmem>>
    %dma_start3A_24 = tpu.memref_squeeze %dma_start3A_23 : memref<1x2x100xi32, #tpu.memory_space<vmem>> -> memref<2x100xi32, #tpu.memory_space<vmem>>
    %dma_start3A_25 = arith.constant 0 : i32
    %dma_start3A_26 = tpu.memref_slice %dma_start3A_24[%dma_start3A_6, %dma_start3A_25] : memref<2x100xi32, #tpu.memory_space<vmem>> -> memref<1x100xi32, #tpu.memory_space<vmem>>
    %dma_start3A_27 = tpu.memref_squeeze %dma_start3A_26 : memref<1x100xi32, #tpu.memory_space<vmem>> -> memref<100xi32, #tpu.memory_space<vmem>>
    %dma_start3A_28 = arith.constant 0 : i32
    %dma_start3A_29 = arith.constant 0 : i32
    %dma_start3A_30 = tpu.memref_slice %arg3[%add3A, %dma_start3A_28, %dma_start3A_29] : memref<64x100x100xi32, #tpu.memory_space<hbm>> -> memref<1x100x100xi32, #tpu.memory_space<hbm>>
    %dma_start3A_31 = tpu.memref_squeeze %dma_start3A_30 : memref<1x100x100xi32, #tpu.memory_space<hbm>> -> memref<100x100xi32, #tpu.memory_space<hbm>>
    %dma_start3A_32 = arith.constant 0 : i32
    %dma_start3A_33 = tpu.memref_slice %dma_start3A_31[%dma_start3A_4, %dma_start3A_32] : memref<100x100xi32, #tpu.memory_space<hbm>> -> memref<1x100xi32, #tpu.memory_space<hbm>>
    %dma_start3A_34 = tpu.memref_squeeze %dma_start3A_33 : memref<1x100xi32, #tpu.memory_space<hbm>> -> memref<100xi32, #tpu.memory_space<hbm>>
    tpu.enqueue_dma source(%dma_start3A_34 : memref<100xi32, #tpu.memory_space<hbm>>) target(%dma_start3A_27 : memref<100xi32, #tpu.memory_space<vmem>>) target_semaphore(%arg12 : memref<!tpu.dma_semaphore, #tpu.memory_space<semaphore_mem>>)
    %add3A_35 = arith.constant 32 : i32
    %add3A_36 = arith.addi %add3A_35, %add3A : i32
    %dma_start3A_37 = arith.constant 0 : i32
    %dma_start3A_38 = arith.constant 0 : i32
    %dma_start3A_39 = arith.constant 1 : i32
    %dma_start3A_40 = arith.constant 0 : i32
    %dma_start3A_41 = arith.constant 0 : i32
    %dma_start3A_42 = tpu.memref_slice %arg6[%dma_start3A_38, %dma_start3A_40, %dma_start3A_41] : memref<3x2x100xi32, #tpu.memory_space<vmem>> -> memref<1x2x100xi32, #tpu.memory_space<vmem>>
    %dma_start3A_43 = tpu.memref_squeeze %dma_start3A_42 : memref<1x2x100xi32, #tpu.memory_space<vmem>> -> memref<2x100xi32, #tpu.memory_space<vmem>>
    %dma_start3A_44 = arith.constant 0 : i32
    %dma_start3A_45 = tpu.memref_slice %dma_start3A_43[%dma_start3A_39, %dma_start3A_44] : memref<2x100xi32, #tpu.memory_space<vmem>> -> memref<1x100xi32, #tpu.memory_space<vmem>>
    %dma_start3A_46 = tpu.memref_squeeze %dma_start3A_45 : memref<1x100xi32, #tpu.memory_space<vmem>> -> memref<100xi32, #tpu.memory_space<vmem>>
    %dma_start3A_47 = arith.constant 0 : i32
    %dma_start3A_48 = arith.constant 0 : i32
    %dma_start3A_49 = tpu.memref_slice %arg3[%add3A_36, %dma_start3A_47, %dma_start3A_48] : memref<64x100x100xi32, #tpu.memory_space<hbm>> -> memref<1x100x100xi32, #tpu.memory_space<hbm>>
    %dma_start3A_50 = tpu.memref_squeeze %dma_start3A_49 : memref<1x100x100xi32, #tpu.memory_space<hbm>> -> memref<100x100xi32, #tpu.memory_space<hbm>>
    %dma_start3A_51 = arith.constant 0 : i32
    %dma_start3A_52 = tpu.memref_slice %dma_start3A_50[%dma_start3A_37, %dma_start3A_51] : memref<100x100xi32, #tpu.memory_space<hbm>> -> memref<1x100xi32, #tpu.memory_space<hbm>>
    %dma_start3A_53 = tpu.memref_squeeze %dma_start3A_52 : memref<1x100xi32, #tpu.memory_space<hbm>> -> memref<100xi32, #tpu.memory_space<hbm>>
    %dma_start3A_54 = arith.constant 0 : i32
    %dma_start3A_55 = arith.constant 0 : i32
    %dma_start3A_56 = tpu.memref_slice %arg6[%dma_start3A_38, %dma_start3A_54, %dma_start3A_55] : memref<3x2x100xi32, #tpu.memory_space<vmem>> -> memref<1x2x100xi32, #tpu.memory_space<vmem>>
    %dma_start3A_57 = tpu.memref_squeeze %dma_start3A_56 : memref<1x2x100xi32, #tpu.memory_space<vmem>> -> memref<2x100xi32, #tpu.memory_space<vmem>>
    %dma_start3A_58 = arith.constant 0 : i32
    %dma_start3A_59 = tpu.memref_slice %dma_start3A_57[%dma_start3A_39, %dma_start3A_58] : memref<2x100xi32, #tpu.memory_space<vmem>> -> memref<1x100xi32, #tpu.memory_space<vmem>>
    %dma_start3A_60 = tpu.memref_squeeze %dma_start3A_59 : memref<1x100xi32, #tpu.memory_space<vmem>> -> memref<100xi32, #tpu.memory_space<vmem>>
    %dma_start3A_61 = arith.constant 0 : i32
    %dma_start3A_62 = arith.constant 0 : i32
    %dma_start3A_63 = tpu.memref_slice %arg3[%add3A_36, %dma_start3A_61, %dma_start3A_62] : memref<64x100x100xi32, #tpu.memory_space<hbm>> -> memref<1x100x100xi32, #tpu.memory_space<hbm>>
    %dma_start3A_64 = tpu.memref_squeeze %dma_start3A_63 : memref<1x100x100xi32, #tpu.memory_space<hbm>> -> memref<100x100xi32, #tpu.memory_space<hbm>>
    %dma_start3A_65 = arith.constant 0 : i32
    %dma_start3A_66 = tpu.memref_slice %dma_start3A_64[%dma_start3A_37, %dma_start3A_65] : memref<100x100xi32, #tpu.memory_space<hbm>> -> memref<1x100xi32, #tpu.memory_space<hbm>>
    %dma_start3A_67 = tpu.memref_squeeze %dma_start3A_66 : memref<1x100xi32, #tpu.memory_space<hbm>> -> memref<100xi32, #tpu.memory_space<hbm>>
    tpu.enqueue_dma source(%dma_start3A_67 : memref<100xi32, #tpu.memory_space<hbm>>) target(%dma_start3A_60 : memref<100xi32, #tpu.memory_space<vmem>>) target_semaphore(%arg12 : memref<!tpu.dma_semaphore, #tpu.memory_space<semaphore_mem>>)
    %dma_start3A_68 = arith.constant 1 : i32
    %dma_start3A_69 = arith.constant 1 : i32
    %dma_start3A_70 = arith.constant 0 : i32
    %dma_start3A_71 = arith.constant 0 : i32
    %dma_start3A_72 = arith.constant 0 : i32
    %dma_start3A_73 = tpu.memref_slice %arg6[%dma_start3A_69, %dma_start3A_71, %dma_start3A_72] : memref<3x2x100xi32, #tpu.memory_space<vmem>> -> memref<1x2x100xi32, #tpu.memory_space<vmem>>
    %dma_start3A_74 = tpu.memref_squeeze %dma_start3A_73 : memref<1x2x100xi32, #tpu.memory_space<vmem>> -> memref<2x100xi32, #tpu.memory_space<vmem>>
    %dma_start3A_75 = arith.constant 0 : i32
    %dma_start3A_76 = tpu.memref_slice %dma_start3A_74[%dma_start3A_70, %dma_start3A_75] : memref<2x100xi32, #tpu.memory_space<vmem>> -> memref<1x100xi32, #tpu.memory_space<vmem>>
    %dma_start3A_77 = tpu.memref_squeeze %dma_start3A_76 : memref<1x100xi32, #tpu.memory_space<vmem>> -> memref<100xi32, #tpu.memory_space<vmem>>
    %dma_start3A_78 = arith.constant 0 : i32
    %dma_start3A_79 = arith.constant 0 : i32
    %dma_start3A_80 = tpu.memref_slice %arg3[%add3A, %dma_start3A_78, %dma_start3A_79] : memref<64x100x100xi32, #tpu.memory_space<hbm>> -> memref<1x100x100xi32, #tpu.memory_space<hbm>>
    %dma_start3A_81 = tpu.memref_squeeze %dma_start3A_80 : memref<1x100x100xi32, #tpu.memory_space<hbm>> -> memref<100x100xi32, #tpu.memory_space<hbm>>
    %dma_start3A_82 = arith.constant 0 : i32
    %dma_start3A_83 = tpu.memref_slice %dma_start3A_81[%dma_start3A_68, %dma_start3A_82] : memref<100x100xi32, #tpu.memory_space<hbm>> -> memref<1x100xi32, #tpu.memory_space<hbm>>
    %dma_start3A_84 = tpu.memref_squeeze %dma_start3A_83 : memref<1x100xi32, #tpu.memory_space<hbm>> -> memref<100xi32, #tpu.memory_space<hbm>>
    %dma_start3A_85 = arith.constant 0 : i32
    %dma_start3A_86 = arith.constant 0 : i32
    %dma_start3A_87 = tpu.memref_slice %arg6[%dma_start3A_69, %dma_start3A_85, %dma_start3A_86] : memref<3x2x100xi32, #tpu.memory_space<vmem>> -> memref<1x2x100xi32, #tpu.memory_space<vmem>>
    %dma_start3A_88 = tpu.memref_squeeze %dma_start3A_87 : memref<1x2x100xi32, #tpu.memory_space<vmem>> -> memref<2x100xi32, #tpu.memory_space<vmem>>
    %dma_start3A_89 = arith.constant 0 : i32
    %dma_start3A_90 = tpu.memref_slice %dma_start3A_88[%dma_start3A_70, %dma_start3A_89] : memref<2x100xi32, #tpu.memory_space<vmem>> -> memref<1x100xi32, #tpu.memory_space<vmem>>
    %dma_start3A_91 = tpu.memref_squeeze %dma_start3A_90 : memref<1x100xi32, #tpu.memory_space<vmem>> -> memref<100xi32, #tpu.memory_space<vmem>>
    %dma_start3A_92 = arith.constant 0 : i32
    %dma_start3A_93 = arith.constant 0 : i32
    %dma_start3A_94 = tpu.memref_slice %arg3[%add3A, %dma_start3A_92, %dma_start3A_93] : memref<64x100x100xi32, #tpu.memory_space<hbm>> -> memref<1x100x100xi32, #tpu.memory_space<hbm>>
    %dma_start3A_95 = tpu.memref_squeeze %dma_start3A_94 : memref<1x100x100xi32, #tpu.memory_space<hbm>> -> memref<100x100xi32, #tpu.memory_space<hbm>>
    %dma_start3A_96 = arith.constant 0 : i32
    %dma_start3A_97 = tpu.memref_slice %dma_start3A_95[%dma_start3A_68, %dma_start3A_96] : memref<100x100xi32, #tpu.memory_space<hbm>> -> memref<1x100xi32, #tpu.memory_space<hbm>>
    %dma_start3A_98 = tpu.memref_squeeze %dma_start3A_97 : memref<1x100xi32, #tpu.memory_space<hbm>> -> memref<100xi32, #tpu.memory_space<hbm>>
    tpu.enqueue_dma source(%dma_start3A_98 : memref<100xi32, #tpu.memory_space<hbm>>) target(%dma_start3A_91 : memref<100xi32, #tpu.memory_space<vmem>>) target_semaphore(%arg13 : memref<!tpu.dma_semaphore, #tpu.memory_space<semaphore_mem>>)
    %add3A_99 = arith.constant 32 : i32
    %add3A_100 = arith.addi %add3A_99, %add3A : i32
    %dma_start3A_101 = arith.constant 1 : i32
    %dma_start3A_102 = arith.constant 1 : i32
    %dma_start3A_103 = arith.constant 1 : i32
    %dma_start3A_104 = arith.constant 0 : i32
    %dma_start3A_105 = arith.constant 0 : i32
    %dma_start3A_106 = tpu.memref_slice %arg6[%dma_start3A_102, %dma_start3A_104, %dma_start3A_105] : memref<3x2x100xi32, #tpu.memory_space<vmem>> -> memref<1x2x100xi32, #tpu.memory_space<vmem>>
    %dma_start3A_107 = tpu.memref_squeeze %dma_start3A_106 : memref<1x2x100xi32, #tpu.memory_space<vmem>> -> memref<2x100xi32, #tpu.memory_space<vmem>>
    %dma_start3A_108 = arith.constant 0 : i32
    %dma_start3A_109 = tpu.memref_slice %dma_start3A_107[%dma_start3A_103, %dma_start3A_108] : memref<2x100xi32, #tpu.memory_space<vmem>> -> memref<1x100xi32, #tpu.memory_space<vmem>>
    %dma_start3A_110 = tpu.memref_squeeze %dma_start3A_109 : memref<1x100xi32, #tpu.memory_space<vmem>> -> memref<100xi32, #tpu.memory_space<vmem>>
    %dma_start3A_111 = arith.constant 0 : i32
    %dma_start3A_112 = arith.constant 0 : i32
    %dma_start3A_113 = tpu.memref_slice %arg3[%add3A_100, %dma_start3A_111, %dma_start3A_112] : memref<64x100x100xi32, #tpu.memory_space<hbm>> -> memref<1x100x100xi32, #tpu.memory_space<hbm>>
    %dma_start3A_114 = tpu.memref_squeeze %dma_start3A_113 : memref<1x100x100xi32, #tpu.memory_space<hbm>> -> memref<100x100xi32, #tpu.memory_space<hbm>>
    %dma_start3A_115 = arith.constant 0 : i32
    %dma_start3A_116 = tpu.memref_slice %dma_start3A_114[%dma_start3A_101, %dma_start3A_115] : memref<100x100xi32, #tpu.memory_space<hbm>> -> memref<1x100xi32, #tpu.memory_space<hbm>>
    %dma_start3A_117 = tpu.memref_squeeze %dma_start3A_116 : memref<1x100xi32, #tpu.memory_space<hbm>> -> memref<100xi32, #tpu.memory_space<hbm>>
    %dma_start3A_118 = arith.constant 0 : i32
    %dma_start3A_119 = arith.constant 0 : i32
    %dma_start3A_120 = tpu.memref_slice %arg6[%dma_start3A_102, %dma_start3A_118, %dma_start3A_119] : memref<3x2x100xi32, #tpu.memory_space<vmem>> -> memref<1x2x100xi32, #tpu.memory_space<vmem>>
    %dma_start3A_121 = tpu.memref_squeeze %dma_start3A_120 : memref<1x2x100xi32, #tpu.memory_space<vmem>> -> memref<2x100xi32, #tpu.memory_space<vmem>>
    %dma_start3A_122 = arith.constant 0 : i32
    %dma_start3A_123 = tpu.memref_slice %dma_start3A_121[%dma_start3A_103, %dma_start3A_122] : memref<2x100xi32, #tpu.memory_space<vmem>> -> memref<1x100xi32, #tpu.memory_space<vmem>>
    %dma_start3A_124 = tpu.memref_squeeze %dma_start3A_123 : memref<1x100xi32, #tpu.memory_space<vmem>> -> memref<100xi32, #tpu.memory_space<vmem>>
    %dma_start3A_125 = arith.constant 0 : i32
    %dma_start3A_126 = arith.constant 0 : i32
    %dma_start3A_127 = tpu.memref_slice %arg3[%add3A_100, %dma_start3A_125, %dma_start3A_126] : memref<64x100x100xi32, #tpu.memory_space<hbm>> -> memref<1x100x100xi32, #tpu.memory_space<hbm>>
    %dma_start3A_128 = tpu.memref_squeeze %dma_start3A_127 : memref<1x100x100xi32, #tpu.memory_space<hbm>> -> memref<100x100xi32, #tpu.memory_space<hbm>>
    %dma_start3A_129 = arith.constant 0 : i32
    %dma_start3A_130 = tpu.memref_slice %dma_start3A_128[%dma_start3A_101, %dma_start3A_129] : memref<100x100xi32, #tpu.memory_space<hbm>> -> memref<1x100xi32, #tpu.memory_space<hbm>>
    %dma_start3A_131 = tpu.memref_squeeze %dma_start3A_130 : memref<1x100xi32, #tpu.memory_space<hbm>> -> memref<100xi32, #tpu.memory_space<hbm>>
    tpu.enqueue_dma source(%dma_start3A_131 : memref<100xi32, #tpu.memory_space<hbm>>) target(%dma_start3A_124 : memref<100xi32, #tpu.memory_space<vmem>>) target_semaphore(%arg13 : memref<!tpu.dma_semaphore, #tpu.memory_space<semaphore_mem>>)
    %dma_wait3A = arith.constant 0 : i32
    %dma_wait3A_132 = arith.constant 0 : i32
    %dma_wait3A_133 = arith.constant 0 : i32
    %dma_wait3A_134 = arith.constant 0 : i32
    %dma_wait3A_135 = arith.constant 0 : i32
    %dma_wait3A_136 = tpu.memref_slice %arg6[%dma_wait3A_132, %dma_wait3A_134, %dma_wait3A_135] : memref<3x2x100xi32, #tpu.memory_space<vmem>> -> memref<1x2x100xi32, #tpu.memory_space<vmem>>
    %dma_wait3A_137 = tpu.memref_squeeze %dma_wait3A_136 : memref<1x2x100xi32, #tpu.memory_space<vmem>> -> memref<2x100xi32, #tpu.memory_space<vmem>>
    %dma_wait3A_138 = arith.constant 0 : i32
    %dma_wait3A_139 = tpu.memref_slice %dma_wait3A_137[%dma_wait3A_133, %dma_wait3A_138] : memref<2x100xi32, #tpu.memory_space<vmem>> -> memref<1x100xi32, #tpu.memory_space<vmem>>
    %dma_wait3A_140 = tpu.memref_squeeze %dma_wait3A_139 : memref<1x100xi32, #tpu.memory_space<vmem>> -> memref<100xi32, #tpu.memory_space<vmem>>
    %dma_wait3A_141 = arith.constant 0 : i32
    %dma_wait3A_142 = arith.constant 0 : i32
    %dma_wait3A_143 = tpu.memref_slice %arg3[%add3A, %dma_wait3A_141, %dma_wait3A_142] : memref<64x100x100xi32, #tpu.memory_space<hbm>> -> memref<1x100x100xi32, #tpu.memory_space<hbm>>
    %dma_wait3A_144 = tpu.memref_squeeze %dma_wait3A_143 : memref<1x100x100xi32, #tpu.memory_space<hbm>> -> memref<100x100xi32, #tpu.memory_space<hbm>>
    %dma_wait3A_145 = arith.constant 0 : i32
    %dma_wait3A_146 = tpu.memref_slice %dma_wait3A_144[%dma_wait3A, %dma_wait3A_145] : memref<100x100xi32, #tpu.memory_space<hbm>> -> memref<1x100xi32, #tpu.memory_space<hbm>>
    %dma_wait3A_147 = tpu.memref_squeeze %dma_wait3A_146 : memref<1x100xi32, #tpu.memory_space<hbm>> -> memref<100xi32, #tpu.memory_space<hbm>>
    %dma_wait3A_148 = arith.constant 0 : i32
    %dma_wait3A_149 = arith.constant 0 : i32
    %dma_wait3A_150 = tpu.memref_slice %arg6[%dma_wait3A_132, %dma_wait3A_148, %dma_wait3A_149] : memref<3x2x100xi32, #tpu.memory_space<vmem>> -> memref<1x2x100xi32, #tpu.memory_space<vmem>>
    %dma_wait3A_151 = tpu.memref_squeeze %dma_wait3A_150 : memref<1x2x100xi32, #tpu.memory_space<vmem>> -> memref<2x100xi32, #tpu.memory_space<vmem>>
    %dma_wait3A_152 = arith.constant 0 : i32
    %dma_wait3A_153 = tpu.memref_slice %dma_wait3A_151[%dma_wait3A_133, %dma_wait3A_152] : memref<2x100xi32, #tpu.memory_space<vmem>> -> memref<1x100xi32, #tpu.memory_space<vmem>>
    %dma_wait3A_154 = tpu.memref_squeeze %dma_wait3A_153 : memref<1x100xi32, #tpu.memory_space<vmem>> -> memref<100xi32, #tpu.memory_space<vmem>>
    %dma_wait3A_155 = arith.constant 0 : i32
    %dma_wait3A_156 = arith.constant 0 : i32
    %dma_wait3A_157 = tpu.memref_slice %arg3[%add3A, %dma_wait3A_155, %dma_wait3A_156] : memref<64x100x100xi32, #tpu.memory_space<hbm>> -> memref<1x100x100xi32, #tpu.memory_space<hbm>>
    %dma_wait3A_158 = tpu.memref_squeeze %dma_wait3A_157 : memref<1x100x100xi32, #tpu.memory_space<hbm>> -> memref<100x100xi32, #tpu.memory_space<hbm>>
    %dma_wait3A_159 = arith.constant 0 : i32
    %dma_wait3A_160 = tpu.memref_slice %dma_wait3A_158[%dma_wait3A, %dma_wait3A_159] : memref<100x100xi32, #tpu.memory_space<hbm>> -> memref<1x100xi32, #tpu.memory_space<hbm>>
    %dma_wait3A_161 = tpu.memref_squeeze %dma_wait3A_160 : memref<1x100xi32, #tpu.memory_space<hbm>> -> memref<100xi32, #tpu.memory_space<hbm>>
    tpu.wait_dma2 semaphore(%arg12 : memref<!tpu.dma_semaphore, #tpu.memory_space<semaphore_mem>>) src(%dma_wait3A_161 : memref<100xi32, #tpu.memory_space<hbm>>) dst(%dma_wait3A_154 : memref<100xi32, #tpu.memory_space<vmem>>)
    %add3A_162 = arith.constant 32 : i32
    %add3A_163 = arith.addi %add3A_162, %add3A : i32
    %dma_wait3A_164 = arith.constant 0 : i32
    %dma_wait3A_165 = arith.constant 0 : i32
    %dma_wait3A_166 = arith.constant 1 : i32
    %dma_wait3A_167 = arith.constant 0 : i32
    %dma_wait3A_168 = arith.constant 0 : i32
    %dma_wait3A_169 = tpu.memref_slice %arg6[%dma_wait3A_165, %dma_wait3A_167, %dma_wait3A_168] : memref<3x2x100xi32, #tpu.memory_space<vmem>> -> memref<1x2x100xi32, #tpu.memory_space<vmem>>
    %dma_wait3A_170 = tpu.memref_squeeze %dma_wait3A_169 : memref<1x2x100xi32, #tpu.memory_space<vmem>> -> memref<2x100xi32, #tpu.memory_space<vmem>>
    %dma_wait3A_171 = arith.constant 0 : i32
    %dma_wait3A_172 = tpu.memref_slice %dma_wait3A_170[%dma_wait3A_166, %dma_wait3A_171] : memref<2x100xi32, #tpu.memory_space<vmem>> -> memref<1x100xi32, #tpu.memory_space<vmem>>
    %dma_wait3A_173 = tpu.memref_squeeze %dma_wait3A_172 : memref<1x100xi32, #tpu.memory_space<vmem>> -> memref<100xi32, #tpu.memory_space<vmem>>
    %dma_wait3A_174 = arith.constant 0 : i32
    %dma_wait3A_175 = arith.constant 0 : i32
    %dma_wait3A_176 = tpu.memref_slice %arg3[%add3A_163, %dma_wait3A_174, %dma_wait3A_175] : memref<64x100x100xi32, #tpu.memory_space<hbm>> -> memref<1x100x100xi32, #tpu.memory_space<hbm>>
    %dma_wait3A_177 = tpu.memref_squeeze %dma_wait3A_176 : memref<1x100x100xi32, #tpu.memory_space<hbm>> -> memref<100x100xi32, #tpu.memory_space<hbm>>
    %dma_wait3A_178 = arith.constant 0 : i32
    %dma_wait3A_179 = tpu.memref_slice %dma_wait3A_177[%dma_wait3A_164, %dma_wait3A_178] : memref<100x100xi32, #tpu.memory_space<hbm>> -> memref<1x100xi32, #tpu.memory_space<hbm>>
    %dma_wait3A_180 = tpu.memref_squeeze %dma_wait3A_179 : memref<1x100xi32, #tpu.memory_space<hbm>> -> memref<100xi32, #tpu.memory_space<hbm>>
    %dma_wait3A_181 = arith.constant 0 : i32
    %dma_wait3A_182 = arith.constant 0 : i32
    %dma_wait3A_183 = tpu.memref_slice %arg6[%dma_wait3A_165, %dma_wait3A_181, %dma_wait3A_182] : memref<3x2x100xi32, #tpu.memory_space<vmem>> -> memref<1x2x100xi32, #tpu.memory_space<vmem>>
    %dma_wait3A_184 = tpu.memref_squeeze %dma_wait3A_183 : memref<1x2x100xi32, #tpu.memory_space<vmem>> -> memref<2x100xi32, #tpu.memory_space<vmem>>
    %dma_wait3A_185 = arith.constant 0 : i32
    %dma_wait3A_186 = tpu.memref_slice %dma_wait3A_184[%dma_wait3A_166, %dma_wait3A_185] : memref<2x100xi32, #tpu.memory_space<vmem>> -> memref<1x100xi32, #tpu.memory_space<vmem>>
    %dma_wait3A_187 = tpu.memref_squeeze %dma_wait3A_186 : memref<1x100xi32, #tpu.memory_space<vmem>> -> memref<100xi32, #tpu.memory_space<vmem>>
    %dma_wait3A_188 = arith.constant 0 : i32
    %dma_wait3A_189 = arith.constant 0 : i32
    %dma_wait3A_190 = tpu.memref_slice %arg3[%add3A_163, %dma_wait3A_188, %dma_wait3A_189] : memref<64x100x100xi32, #tpu.memory_space<hbm>> -> memref<1x100x100xi32, #tpu.memory_space<hbm>>
    %dma_wait3A_191 = tpu.memref_squeeze %dma_wait3A_190 : memref<1x100x100xi32, #tpu.memory_space<hbm>> -> memref<100x100xi32, #tpu.memory_space<hbm>>
    %dma_wait3A_192 = arith.constant 0 : i32
    %dma_wait3A_193 = tpu.memref_slice %dma_wait3A_191[%dma_wait3A_164, %dma_wait3A_192] : memref<100x100xi32, #tpu.memory_space<hbm>> -> memref<1x100xi32, #tpu.memory_space<hbm>>
    %dma_wait3A_194 = tpu.memref_squeeze %dma_wait3A_193 : memref<1x100xi32, #tpu.memory_space<hbm>> -> memref<100xi32, #tpu.memory_space<hbm>>
    tpu.wait_dma2 semaphore(%arg12 : memref<!tpu.dma_semaphore, #tpu.memory_space<semaphore_mem>>) src(%dma_wait3A_194 : memref<100xi32, #tpu.memory_space<hbm>>) dst(%dma_wait3A_187 : memref<100xi32, #tpu.memory_space<vmem>>)
    %dma_start3A_195 = arith.constant 0 : i32
    %dma_start3A_196 = arith.constant 0 : i32
    %dma_start3A_197 = arith.constant 0 : i32
    %dma_start3A_198 = arith.constant 0 : i32
    %dma_start3A_199 = tpu.memref_slice %arg7[%dma_start3A_197, %dma_start3A_198] : memref<300x128xf32, #tpu.memory_space<vmem>> -> memref<100x128xf32, #tpu.memory_space<vmem>>
    %dma_start3A_200 = arith.constant 0 : i32
    %dma_start3A_201 = arith.constant 0 : i32
    %dma_start3A_202 = tpu.memref_slice %arg6[%dma_start3A_195, %dma_start3A_200, %dma_start3A_201] : memref<3x2x100xi32, #tpu.memory_space<vmem>> -> memref<1x2x100xi32, #tpu.memory_space<vmem>>
    %dma_start3A_203 = tpu.memref_squeeze %dma_start3A_202 : memref<1x2x100xi32, #tpu.memory_space<vmem>> -> memref<2x100xi32, #tpu.memory_space<vmem>>
    %dma_start3A_204 = arith.constant 0 : i32
    %dma_start3A_205 = tpu.memref_slice %dma_start3A_203[%dma_start3A_196, %dma_start3A_204] : memref<2x100xi32, #tpu.memory_space<vmem>> -> memref<1x100xi32, #tpu.memory_space<vmem>>
    %dma_start3A_206 = tpu.memref_squeeze %dma_start3A_205 : memref<1x100xi32, #tpu.memory_space<vmem>> -> memref<100xi32, #tpu.memory_space<vmem>>
    %dma_start3A_207 = arith.constant 0 : i32
    %dma_start3A_208 = arith.constant 0 : i32
    %dma_start3A_209 = tpu.memref_slice %arg2[%dma_start3A_207, %dma_start3A_208] : memref<10000x128xf32, #tpu.memory_space<hbm>> -> memref<10000x128xf32, #tpu.memory_space<hbm>>
    tpu.enqueue_indirect_dma source(%dma_start3A_209 : memref<10000x128xf32, #tpu.memory_space<hbm>>) target(%dma_start3A_199 : memref<100x128xf32, #tpu.memory_space<vmem>>) offsets(%dma_start3A_206 : memref<100xi32, #tpu.memory_space<vmem>>) semaphore(%arg9 : memref<!tpu.dma_semaphore, #tpu.memory_space<semaphore_mem>>)
    %dma_wait3A_210 = arith.constant 1 : i32
    %dma_wait3A_211 = arith.constant 1 : i32
    %dma_wait3A_212 = arith.constant 0 : i32
    %dma_wait3A_213 = arith.constant 0 : i32
    %dma_wait3A_214 = arith.constant 0 : i32
    %dma_wait3A_215 = tpu.memref_slice %arg6[%dma_wait3A_211, %dma_wait3A_213, %dma_wait3A_214] : memref<3x2x100xi32, #tpu.memory_space<vmem>> -> memref<1x2x100xi32, #tpu.memory_space<vmem>>
    %dma_wait3A_216 = tpu.memref_squeeze %dma_wait3A_215 : memref<1x2x100xi32, #tpu.memory_space<vmem>> -> memref<2x100xi32, #tpu.memory_space<vmem>>
    %dma_wait3A_217 = arith.constant 0 : i32
    %dma_wait3A_218 = tpu.memref_slice %dma_wait3A_216[%dma_wait3A_212, %dma_wait3A_217] : memref<2x100xi32, #tpu.memory_space<vmem>> -> memref<1x100xi32, #tpu.memory_space<vmem>>
    %dma_wait3A_219 = tpu.memref_squeeze %dma_wait3A_218 : memref<1x100xi32, #tpu.memory_space<vmem>> -> memref<100xi32, #tpu.memory_space<vmem>>
    %dma_wait3A_220 = arith.constant 0 : i32
    %dma_wait3A_221 = arith.constant 0 : i32
    %dma_wait3A_222 = tpu.memref_slice %arg3[%add3A, %dma_wait3A_220, %dma_wait3A_221] : memref<64x100x100xi32, #tpu.memory_space<hbm>> -> memref<1x100x100xi32, #tpu.memory_space<hbm>>
    %dma_wait3A_223 = tpu.memref_squeeze %dma_wait3A_222 : memref<1x100x100xi32, #tpu.memory_space<hbm>> -> memref<100x100xi32, #tpu.memory_space<hbm>>
    %dma_wait3A_224 = arith.constant 0 : i32
    %dma_wait3A_225 = tpu.memref_slice %dma_wait3A_223[%dma_wait3A_210, %dma_wait3A_224] : memref<100x100xi32, #tpu.memory_space<hbm>> -> memref<1x100xi32, #tpu.memory_space<hbm>>
    %dma_wait3A_226 = tpu.memref_squeeze %dma_wait3A_225 : memref<1x100xi32, #tpu.memory_space<hbm>> -> memref<100xi32, #tpu.memory_space<hbm>>
    %dma_wait3A_227 = arith.constant 0 : i32
    %dma_wait3A_228 = arith.constant 0 : i32
    %dma_wait3A_229 = tpu.memref_slice %arg6[%dma_wait3A_211, %dma_wait3A_227, %dma_wait3A_228] : memref<3x2x100xi32, #tpu.memory_space<vmem>> -> memref<1x2x100xi32, #tpu.memory_space<vmem>>
    %dma_wait3A_230 = tpu.memref_squeeze %dma_wait3A_229 : memref<1x2x100xi32, #tpu.memory_space<vmem>> -> memref<2x100xi32, #tpu.memory_space<vmem>>
    %dma_wait3A_231 = arith.constant 0 : i32
    %dma_wait3A_232 = tpu.memref_slice %dma_wait3A_230[%dma_wait3A_212, %dma_wait3A_231] : memref<2x100xi32, #tpu.memory_space<vmem>> -> memref<1x100xi32, #tpu.memory_space<vmem>>
    %dma_wait3A_233 = tpu.memref_squeeze %dma_wait3A_232 : memref<1x100xi32, #tpu.memory_space<vmem>> -> memref<100xi32, #tpu.memory_space<vmem>>
    %dma_wait3A_234 = arith.constant 0 : i32
    %dma_wait3A_235 = arith.constant 0 : i32
    %dma_wait3A_236 = tpu.memref_slice %arg3[%add3A, %dma_wait3A_234, %dma_wait3A_235] : memref<64x100x100xi32, #tpu.memory_space<hbm>> -> memref<1x100x100xi32, #tpu.memory_space<hbm>>
    %dma_wait3A_237 = tpu.memref_squeeze %dma_wait3A_236 : memref<1x100x100xi32, #tpu.memory_space<hbm>> -> memref<100x100xi32, #tpu.memory_space<hbm>>
    %dma_wait3A_238 = arith.constant 0 : i32
    %dma_wait3A_239 = tpu.memref_slice %dma_wait3A_237[%dma_wait3A_210, %dma_wait3A_238] : memref<100x100xi32, #tpu.memory_space<hbm>> -> memref<1x100xi32, #tpu.memory_space<hbm>>
    %dma_wait3A_240 = tpu.memref_squeeze %dma_wait3A_239 : memref<1x100xi32, #tpu.memory_space<hbm>> -> memref<100xi32, #tpu.memory_space<hbm>>
    tpu.wait_dma2 semaphore(%arg13 : memref<!tpu.dma_semaphore, #tpu.memory_space<semaphore_mem>>) src(%dma_wait3A_240 : memref<100xi32, #tpu.memory_space<hbm>>) dst(%dma_wait3A_233 : memref<100xi32, #tpu.memory_space<vmem>>)
    %add3A_241 = arith.constant 32 : i32
    %add3A_242 = arith.addi %add3A_241, %add3A : i32
    %dma_wait3A_243 = arith.constant 1 : i32
    %dma_wait3A_244 = arith.constant 1 : i32
    %dma_wait3A_245 = arith.constant 1 : i32
    %dma_wait3A_246 = arith.constant 0 : i32
    %dma_wait3A_247 = arith.constant 0 : i32
    %dma_wait3A_248 = tpu.memref_slice %arg6[%dma_wait3A_244, %dma_wait3A_246, %dma_wait3A_247] : memref<3x2x100xi32, #tpu.memory_space<vmem>> -> memref<1x2x100xi32, #tpu.memory_space<vmem>>
    %dma_wait3A_249 = tpu.memref_squeeze %dma_wait3A_248 : memref<1x2x100xi32, #tpu.memory_space<vmem>> -> memref<2x100xi32, #tpu.memory_space<vmem>>
    %dma_wait3A_250 = arith.constant 0 : i32
    %dma_wait3A_251 = tpu.memref_slice %dma_wait3A_249[%dma_wait3A_245, %dma_wait3A_250] : memref<2x100xi32, #tpu.memory_space<vmem>> -> memref<1x100xi32, #tpu.memory_space<vmem>>
    %dma_wait3A_252 = tpu.memref_squeeze %dma_wait3A_251 : memref<1x100xi32, #tpu.memory_space<vmem>> -> memref<100xi32, #tpu.memory_space<vmem>>
    %dma_wait3A_253 = arith.constant 0 : i32
    %dma_wait3A_254 = arith.constant 0 : i32
    %dma_wait3A_255 = tpu.memref_slice %arg3[%add3A_242, %dma_wait3A_253, %dma_wait3A_254] : memref<64x100x100xi32, #tpu.memory_space<hbm>> -> memref<1x100x100xi32, #tpu.memory_space<hbm>>
    %dma_wait3A_256 = tpu.memref_squeeze %dma_wait3A_255 : memref<1x100x100xi32, #tpu.memory_space<hbm>> -> memref<100x100xi32, #tpu.memory_space<hbm>>
    %dma_wait3A_257 = arith.constant 0 : i32
    %dma_wait3A_258 = tpu.memref_slice %dma_wait3A_256[%dma_wait3A_243, %dma_wait3A_257] : memref<100x100xi32, #tpu.memory_space<hbm>> -> memref<1x100xi32, #tpu.memory_space<hbm>>
    %dma_wait3A_259 = tpu.memref_squeeze %dma_wait3A_258 : memref<1x100xi32, #tpu.memory_space<hbm>> -> memref<100xi32, #tpu.memory_space<hbm>>
    %dma_wait3A_260 = arith.constant 0 : i32
    %dma_wait3A_261 = arith.constant 0 : i32
    %dma_wait3A_262 = tpu.memref_slice %arg6[%dma_wait3A_244, %dma_wait3A_260, %dma_wait3A_261] : memref<3x2x100xi32, #tpu.memory_space<vmem>> -> memref<1x2x100xi32, #tpu.memory_space<vmem>>
    %dma_wait3A_263 = tpu.memref_squeeze %dma_wait3A_262 : memref<1x2x100xi32, #tpu.memory_space<vmem>> -> memref<2x100xi32, #tpu.memory_space<vmem>>
    %dma_wait3A_264 = arith.constant 0 : i32
    %dma_wait3A_265 = tpu.memref_slice %dma_wait3A_263[%dma_wait3A_245, %dma_wait3A_264] : memref<2x100xi32, #tpu.memory_space<vmem>> -> memref<1x100xi32, #tpu.memory_space<vmem>>
    %dma_wait3A_266 = tpu.memref_squeeze %dma_wait3A_265 : memref<1x100xi32, #tpu.memory_space<vmem>> -> memref<100xi32, #tpu.memory_space<vmem>>
    %dma_wait3A_267 = arith.constant 0 : i32
    %dma_wait3A_268 = arith.constant 0 : i32
    %dma_wait3A_269 = tpu.memref_slice %arg3[%add3A_242, %dma_wait3A_267, %dma_wait3A_268] : memref<64x100x100xi32, #tpu.memory_space<hbm>> -> memref<1x100x100xi32, #tpu.memory_space<hbm>>
    %dma_wait3A_270 = tpu.memref_squeeze %dma_wait3A_269 : memref<1x100x100xi32, #tpu.memory_space<hbm>> -> memref<100x100xi32, #tpu.memory_space<hbm>>
    %dma_wait3A_271 = arith.constant 0 : i32
    %dma_wait3A_272 = tpu.memref_slice %dma_wait3A_270[%dma_wait3A_243, %dma_wait3A_271] : memref<100x100xi32, #tpu.memory_space<hbm>> -> memref<1x100xi32, #tpu.memory_space<hbm>>
    %dma_wait3A_273 = tpu.memref_squeeze %dma_wait3A_272 : memref<1x100xi32, #tpu.memory_space<hbm>> -> memref<100xi32, #tpu.memory_space<hbm>>
    tpu.wait_dma2 semaphore(%arg13 : memref<!tpu.dma_semaphore, #tpu.memory_space<semaphore_mem>>) src(%dma_wait3A_273 : memref<100xi32, #tpu.memory_space<hbm>>) dst(%dma_wait3A_266 : memref<100xi32, #tpu.memory_space<vmem>>)
    %dma_start3A_274 = arith.constant 1 : i32
    %dma_start3A_275 = arith.constant 0 : i32
    %dma_start3A_276 = arith.constant 100 : i32
    %dma_start3A_277 = arith.constant 0 : i32
    %dma_start3A_278 = tpu.memref_slice %arg7[%dma_start3A_276, %dma_start3A_277] : memref<300x128xf32, #tpu.memory_space<vmem>> -> memref<100x128xf32, #tpu.memory_space<vmem>>
    %dma_start3A_279 = arith.constant 0 : i32
    %dma_start3A_280 = arith.constant 0 : i32
    %dma_start3A_281 = tpu.memref_slice %arg6[%dma_start3A_274, %dma_start3A_279, %dma_start3A_280] : memref<3x2x100xi32, #tpu.memory_space<vmem>> -> memref<1x2x100xi32, #tpu.memory_space<vmem>>
    %dma_start3A_282 = tpu.memref_squeeze %dma_start3A_281 : memref<1x2x100xi32, #tpu.memory_space<vmem>> -> memref<2x100xi32, #tpu.memory_space<vmem>>
    %dma_start3A_283 = arith.constant 0 : i32
    %dma_start3A_284 = tpu.memref_slice %dma_start3A_282[%dma_start3A_275, %dma_start3A_283] : memref<2x100xi32, #tpu.memory_space<vmem>> -> memref<1x100xi32, #tpu.memory_space<vmem>>
    %dma_start3A_285 = tpu.memref_squeeze %dma_start3A_284 : memref<1x100xi32, #tpu.memory_space<vmem>> -> memref<100xi32, #tpu.memory_space<vmem>>
    %dma_start3A_286 = arith.constant 0 : i32
    %dma_start3A_287 = arith.constant 0 : i32
    %dma_start3A_288 = tpu.memref_slice %arg2[%dma_start3A_286, %dma_start3A_287] : memref<10000x128xf32, #tpu.memory_space<hbm>> -> memref<10000x128xf32, #tpu.memory_space<hbm>>
    tpu.enqueue_indirect_dma source(%dma_start3A_288 : memref<10000x128xf32, #tpu.memory_space<hbm>>) target(%dma_start3A_278 : memref<100x128xf32, #tpu.memory_space<vmem>>) offsets(%dma_start3A_285 : memref<100xi32, #tpu.memory_space<vmem>>) semaphore(%arg10 : memref<!tpu.dma_semaphore, #tpu.memory_space<semaphore_mem>>)
    %dma_start3A_289 = arith.constant 2 : i32
    %dma_start3A_290 = arith.constant 2 : i32
    %dma_start3A_291 = arith.constant 0 : i32
    %dma_start3A_292 = arith.constant 0 : i32
    %dma_start3A_293 = arith.constant 0 : i32
    %dma_start3A_294 = tpu.memref_slice %arg6[%dma_start3A_290, %dma_start3A_292, %dma_start3A_293] : memref<3x2x100xi32, #tpu.memory_space<vmem>> -> memref<1x2x100xi32, #tpu.memory_space<vmem>>
    %dma_start3A_295 = tpu.memref_squeeze %dma_start3A_294 : memref<1x2x100xi32, #tpu.memory_space<vmem>> -> memref<2x100xi32, #tpu.memory_space<vmem>>
    %dma_start3A_296 = arith.constant 0 : i32
    %dma_start3A_297 = tpu.memref_slice %dma_start3A_295[%dma_start3A_291, %dma_start3A_296] : memref<2x100xi32, #tpu.memory_space<vmem>> -> memref<1x100xi32, #tpu.memory_space<vmem>>
    %dma_start3A_298 = tpu.memref_squeeze %dma_start3A_297 : memref<1x100xi32, #tpu.memory_space<vmem>> -> memref<100xi32, #tpu.memory_space<vmem>>
    %dma_start3A_299 = arith.constant 0 : i32
    %dma_start3A_300 = arith.constant 0 : i32
    %dma_start3A_301 = tpu.memref_slice %arg3[%add3A, %dma_start3A_299, %dma_start3A_300] : memref<64x100x100xi32, #tpu.memory_space<hbm>> -> memref<1x100x100xi32, #tpu.memory_space<hbm>>
    %dma_start3A_302 = tpu.memref_squeeze %dma_start3A_301 : memref<1x100x100xi32, #tpu.memory_space<hbm>> -> memref<100x100xi32, #tpu.memory_space<hbm>>
    %dma_start3A_303 = arith.constant 0 : i32
    %dma_start3A_304 = tpu.memref_slice %dma_start3A_302[%dma_start3A_289, %dma_start3A_303] : memref<100x100xi32, #tpu.memory_space<hbm>> -> memref<1x100xi32, #tpu.memory_space<hbm>>
    %dma_start3A_305 = tpu.memref_squeeze %dma_start3A_304 : memref<1x100xi32, #tpu.memory_space<hbm>> -> memref<100xi32, #tpu.memory_space<hbm>>
    %dma_start3A_306 = arith.constant 0 : i32
    %dma_start3A_307 = arith.constant 0 : i32
    %dma_start3A_308 = tpu.memref_slice %arg6[%dma_start3A_290, %dma_start3A_306, %dma_start3A_307] : memref<3x2x100xi32, #tpu.memory_space<vmem>> -> memref<1x2x100xi32, #tpu.memory_space<vmem>>
    %dma_start3A_309 = tpu.memref_squeeze %dma_start3A_308 : memref<1x2x100xi32, #tpu.memory_space<vmem>> -> memref<2x100xi32, #tpu.memory_space<vmem>>
    %dma_start3A_310 = arith.constant 0 : i32
    %dma_start3A_311 = tpu.memref_slice %dma_start3A_309[%dma_start3A_291, %dma_start3A_310] : memref<2x100xi32, #tpu.memory_space<vmem>> -> memref<1x100xi32, #tpu.memory_space<vmem>>
    %dma_start3A_312 = tpu.memref_squeeze %dma_start3A_311 : memref<1x100xi32, #tpu.memory_space<vmem>> -> memref<100xi32, #tpu.memory_space<vmem>>
    %dma_start3A_313 = arith.constant 0 : i32
    %dma_start3A_314 = arith.constant 0 : i32
    %dma_start3A_315 = tpu.memref_slice %arg3[%add3A, %dma_start3A_313, %dma_start3A_314] : memref<64x100x100xi32, #tpu.memory_space<hbm>> -> memref<1x100x100xi32, #tpu.memory_space<hbm>>
    %dma_start3A_316 = tpu.memref_squeeze %dma_start3A_315 : memref<1x100x100xi32, #tpu.memory_space<hbm>> -> memref<100x100xi32, #tpu.memory_space<hbm>>
    %dma_start3A_317 = arith.constant 0 : i32
    %dma_start3A_318 = tpu.memref_slice %dma_start3A_316[%dma_start3A_289, %dma_start3A_317] : memref<100x100xi32, #tpu.memory_space<hbm>> -> memref<1x100xi32, #tpu.memory_space<hbm>>
    %dma_start3A_319 = tpu.memref_squeeze %dma_start3A_318 : memref<1x100xi32, #tpu.memory_space<hbm>> -> memref<100xi32, #tpu.memory_space<hbm>>
    tpu.enqueue_dma source(%dma_start3A_319 : memref<100xi32, #tpu.memory_space<hbm>>) target(%dma_start3A_312 : memref<100xi32, #tpu.memory_space<vmem>>) target_semaphore(%arg14 : memref<!tpu.dma_semaphore, #tpu.memory_space<semaphore_mem>>)
    %add3A_320 = arith.constant 32 : i32
    %add3A_321 = arith.addi %add3A_320, %add3A : i32
    %dma_start3A_322 = arith.constant 2 : i32
    %dma_start3A_323 = arith.constant 2 : i32
    %dma_start3A_324 = arith.constant 1 : i32
    %dma_start3A_325 = arith.constant 0 : i32
    %dma_start3A_326 = arith.constant 0 : i32
    %dma_start3A_327 = tpu.memref_slice %arg6[%dma_start3A_323, %dma_start3A_325, %dma_start3A_326] : memref<3x2x100xi32, #tpu.memory_space<vmem>> -> memref<1x2x100xi32, #tpu.memory_space<vmem>>
    %dma_start3A_328 = tpu.memref_squeeze %dma_start3A_327 : memref<1x2x100xi32, #tpu.memory_space<vmem>> -> memref<2x100xi32, #tpu.memory_space<vmem>>
    %dma_start3A_329 = arith.constant 0 : i32
    %dma_start3A_330 = tpu.memref_slice %dma_start3A_328[%dma_start3A_324, %dma_start3A_329] : memref<2x100xi32, #tpu.memory_space<vmem>> -> memref<1x100xi32, #tpu.memory_space<vmem>>
    %dma_start3A_331 = tpu.memref_squeeze %dma_start3A_330 : memref<1x100xi32, #tpu.memory_space<vmem>> -> memref<100xi32, #tpu.memory_space<vmem>>
    %dma_start3A_332 = arith.constant 0 : i32
    %dma_start3A_333 = arith.constant 0 : i32
    %dma_start3A_334 = tpu.memref_slice %arg3[%add3A_321, %dma_start3A_332, %dma_start3A_333] : memref<64x100x100xi32, #tpu.memory_space<hbm>> -> memref<1x100x100xi32, #tpu.memory_space<hbm>>
    %dma_start3A_335 = tpu.memref_squeeze %dma_start3A_334 : memref<1x100x100xi32, #tpu.memory_space<hbm>> -> memref<100x100xi32, #tpu.memory_space<hbm>>
    %dma_start3A_336 = arith.constant 0 : i32
    %dma_start3A_337 = tpu.memref_slice %dma_start3A_335[%dma_start3A_322, %dma_start3A_336] : memref<100x100xi32, #tpu.memory_space<hbm>> -> memref<1x100xi32, #tpu.memory_space<hbm>>
    %dma_start3A_338 = tpu.memref_squeeze %dma_start3A_337 : memref<1x100xi32, #tpu.memory_space<hbm>> -> memref<100xi32, #tpu.memory_space<hbm>>
    %dma_start3A_339 = arith.constant 0 : i32
    %dma_start3A_340 = arith.constant 0 : i32
    %dma_start3A_341 = tpu.memref_slice %arg6[%dma_start3A_323, %dma_start3A_339, %dma_start3A_340] : memref<3x2x100xi32, #tpu.memory_space<vmem>> -> memref<1x2x100xi32, #tpu.memory_space<vmem>>
    %dma_start3A_342 = tpu.memref_squeeze %dma_start3A_341 : memref<1x2x100xi32, #tpu.memory_space<vmem>> -> memref<2x100xi32, #tpu.memory_space<vmem>>
    %dma_start3A_343 = arith.constant 0 : i32
    %dma_start3A_344 = tpu.memref_slice %dma_start3A_342[%dma_start3A_324, %dma_start3A_343] : memref<2x100xi32, #tpu.memory_space<vmem>> -> memref<1x100xi32, #tpu.memory_space<vmem>>
    %dma_start3A_345 = tpu.memref_squeeze %dma_start3A_344 : memref<1x100xi32, #tpu.memory_space<vmem>> -> memref<100xi32, #tpu.memory_space<vmem>>
    %dma_start3A_346 = arith.constant 0 : i32
    %dma_start3A_347 = arith.constant 0 : i32
    %dma_start3A_348 = tpu.memref_slice %arg3[%add3A_321, %dma_start3A_346, %dma_start3A_347] : memref<64x100x100xi32, #tpu.memory_space<hbm>> -> memref<1x100x100xi32, #tpu.memory_space<hbm>>
    %dma_start3A_349 = tpu.memref_squeeze %dma_start3A_348 : memref<1x100x100xi32, #tpu.memory_space<hbm>> -> memref<100x100xi32, #tpu.memory_space<hbm>>
    %dma_start3A_350 = arith.constant 0 : i32
    %dma_start3A_351 = tpu.memref_slice %dma_start3A_349[%dma_start3A_322, %dma_start3A_350] : memref<100x100xi32, #tpu.memory_space<hbm>> -> memref<1x100xi32, #tpu.memory_space<hbm>>
    %dma_start3A_352 = tpu.memref_squeeze %dma_start3A_351 : memref<1x100xi32, #tpu.memory_space<hbm>> -> memref<100xi32, #tpu.memory_space<hbm>>
    tpu.enqueue_dma source(%dma_start3A_352 : memref<100xi32, #tpu.memory_space<hbm>>) target(%dma_start3A_345 : memref<100xi32, #tpu.memory_space<vmem>>) target_semaphore(%arg14 : memref<!tpu.dma_semaphore, #tpu.memory_space<semaphore_mem>>)
    %mul3A_353 = arith.constant 640 : i32
    %mul3A_354 = arith.muli %arg1, %mul3A_353 : i32
    %dma_wait3A_355 = arith.constant 0 : i32
    %dma_wait3A_356 = tpu.memref_slice %arg8[%mul3A_354, %dma_wait3A_355] : memref<10240x128xf32, #tpu.memory_space<vmem_shared>> -> memref<640x128xf32, #tpu.memory_space<vmem_shared>>
    tpu.wait_dma2 semaphore(%arg15 : memref<!tpu.dma_semaphore, #tpu.memory_space<semaphore_mem>>) src(%arg4 : memref<640x128xf32, #tpu.memory_space<hbm>>) dst(%dma_wait3A_356 : memref<640x128xf32, #tpu.memory_space<vmem_shared>>)
    %barrier3A = arith.constant 0 : index
    tpu.barrier barrier_id(%barrier3A)
    %scan3A = arith.constant 0 : i32
    %scan3A_357 = arith.constant 2 : i32
    %scan3A_358 = arith.constant 0 : i32
    %scan3A_359 = arith.constant 1 : i32
    %scan3A_360 = arith.constant 0 : i32
    %scan3A_361 = arith.constant 32 : i32
    %scan3A_362 = arith.addi %scan3A_360, %scan3A_361 : i32
    %scan3A_363 = arith.constant 1 : i32
    scf.for %scan3A_662 = %scan3A_360 to %scan3A_362 step %scan3A_363  : i32 {
      %mul3A_663 = arith.constant 3 : i32
      %mul3A_664 = arith.muli %scan3A_662, %mul3A_663 : i32
      %add3A_665 = arith.constant 2 : i32
      %add3A_666 = arith.addi %mul3A_664, %add3A_665 : i32
      %dma_wait3A_667 = arith.constant 0 : i32
      %dma_wait3A_668 = arith.constant 0 : i32
      %dma_wait3A_669 = arith.constant 0 : i32
      %dma_wait3A_670 = tpu.memref_slice %arg6[%scan3A_357, %dma_wait3A_668, %dma_wait3A_669] : memref<3x2x100xi32, #tpu.memory_space<vmem>> -> memref<1x2x100xi32, #tpu.memory_space<vmem>>
      %dma_wait3A_671 = tpu.memref_squeeze %dma_wait3A_670 : memref<1x2x100xi32, #tpu.memory_space<vmem>> -> memref<2x100xi32, #tpu.memory_space<vmem>>
      %dma_wait3A_672 = arith.constant 0 : i32
      %dma_wait3A_673 = tpu.memref_slice %dma_wait3A_671[%dma_wait3A_667, %dma_wait3A_672] : memref<2x100xi32, #tpu.memory_space<vmem>> -> memref<1x100xi32, #tpu.memory_space<vmem>>
      %dma_wait3A_674 = tpu.memref_squeeze %dma_wait3A_673 : memref<1x100xi32, #tpu.memory_space<vmem>> -> memref<100xi32, #tpu.memory_space<vmem>>
      %dma_wait3A_675 = arith.constant 0 : i32
      %dma_wait3A_676 = arith.constant 0 : i32
      %dma_wait3A_677 = tpu.memref_slice %arg3[%add3A, %dma_wait3A_675, %dma_wait3A_676] : memref<64x100x100xi32, #tpu.memory_space<hbm>> -> memref<1x100x100xi32, #tpu.memory_space<hbm>>
      %dma_wait3A_678 = tpu.memref_squeeze %dma_wait3A_677 : memref<1x100x100xi32, #tpu.memory_space<hbm>> -> memref<100x100xi32, #tpu.memory_space<hbm>>
      %dma_wait3A_679 = arith.constant 0 : i32
      %dma_wait3A_680 = tpu.memref_slice %dma_wait3A_678[%add3A_666, %dma_wait3A_679] : memref<100x100xi32, #tpu.memory_space<hbm>> -> memref<1x100xi32, #tpu.memory_space<hbm>>
      %dma_wait3A_681 = tpu.memref_squeeze %dma_wait3A_680 : memref<1x100xi32, #tpu.memory_space<hbm>> -> memref<100xi32, #tpu.memory_space<hbm>>
      %dma_wait3A_682 = arith.constant 0 : i32
      %dma_wait3A_683 = arith.constant 0 : i32
      %dma_wait3A_684 = tpu.memref_slice %arg6[%scan3A_357, %dma_wait3A_682, %dma_wait3A_683] : memref<3x2x100xi32, #tpu.memory_space<vmem>> -> memref<1x2x100xi32, #tpu.memory_space<vmem>>
      %dma_wait3A_685 = tpu.memref_squeeze %dma_wait3A_684 : memref<1x2x100xi32, #tpu.memory_space<vmem>> -> memref<2x100xi32, #tpu.memory_space<vmem>>
      %dma_wait3A_686 = arith.constant 0 : i32
      %dma_wait3A_687 = tpu.memref_slice %dma_wait3A_685[%dma_wait3A_667, %dma_wait3A_686] : memref<2x100xi32, #tpu.memory_space<vmem>> -> memref<1x100xi32, #tpu.memory_space<vmem>>
      %dma_wait3A_688 = tpu.memref_squeeze %dma_wait3A_687 : memref<1x100xi32, #tpu.memory_space<vmem>> -> memref<100xi32, #tpu.memory_space<vmem>>
      %dma_wait3A_689 = arith.constant 0 : i32
      %dma_wait3A_690 = arith.constant 0 : i32
      %dma_wait3A_691 = tpu.memref_slice %arg3[%add3A, %dma_wait3A_689, %dma_wait3A_690] : memref<64x100x100xi32, #tpu.memory_space<hbm>> -> memref<1x100x100xi32, #tpu.memory_space<hbm>>
      %dma_wait3A_692 = tpu.memref_squeeze %dma_wait3A_691 : memref<1x100x100xi32, #tpu.memory_space<hbm>> -> memref<100x100xi32, #tpu.memory_space<hbm>>
      %dma_wait3A_693 = arith.constant 0 : i32
      %dma_wait3A_694 = tpu.memref_slice %dma_wait3A_692[%add3A_666, %dma_wait3A_693] : memref<100x100xi32, #tpu.memory_space<hbm>> -> memref<1x100xi32, #tpu.memory_space<hbm>>
      %dma_wait3A_695 = tpu.memref_squeeze %dma_wait3A_694 : memref<1x100xi32, #tpu.memory_space<hbm>> -> memref<100xi32, #tpu.memory_space<hbm>>
      tpu.wait_dma2 semaphore(%arg14 : memref<!tpu.dma_semaphore, #tpu.memory_space<semaphore_mem>>) src(%dma_wait3A_695 : memref<100xi32, #tpu.memory_space<hbm>>) dst(%dma_wait3A_688 : memref<100xi32, #tpu.memory_space<vmem>>)
      %add3A_696 = arith.constant 32 : i32
      %add3A_697 = arith.addi %add3A_696, %add3A : i32
      %dma_wait3A_698 = arith.constant 1 : i32
      %dma_wait3A_699 = arith.constant 0 : i32
      %dma_wait3A_700 = arith.constant 0 : i32
      %dma_wait3A_701 = tpu.memref_slice %arg6[%scan3A_357, %dma_wait3A_699, %dma_wait3A_700] : memref<3x2x100xi32, #tpu.memory_space<vmem>> -> memref<1x2x100xi32, #tpu.memory_space<vmem>>
      %dma_wait3A_702 = tpu.memref_squeeze %dma_wait3A_701 : memref<1x2x100xi32, #tpu.memory_space<vmem>> -> memref<2x100xi32, #tpu.memory_space<vmem>>
      %dma_wait3A_703 = arith.constant 0 : i32
      %dma_wait3A_704 = tpu.memref_slice %dma_wait3A_702[%dma_wait3A_698, %dma_wait3A_703] : memref<2x100xi32, #tpu.memory_space<vmem>> -> memref<1x100xi32, #tpu.memory_space<vmem>>
      %dma_wait3A_705 = tpu.memref_squeeze %dma_wait3A_704 : memref<1x100xi32, #tpu.memory_space<vmem>> -> memref<100xi32, #tpu.memory_space<vmem>>
      %dma_wait3A_706 = arith.constant 0 : i32
      %dma_wait3A_707 = arith.constant 0 : i32
      %dma_wait3A_708 = tpu.memref_slice %arg3[%add3A_697, %dma_wait3A_706, %dma_wait3A_707] : memref<64x100x100xi32, #tpu.memory_space<hbm>> -> memref<1x100x100xi32, #tpu.memory_space<hbm>>
      %dma_wait3A_709 = tpu.memref_squeeze %dma_wait3A_708 : memref<1x100x100xi32, #tpu.memory_space<hbm>> -> memref<100x100xi32, #tpu.memory_space<hbm>>
      %dma_wait3A_710 = arith.constant 0 : i32
      %dma_wait3A_711 = tpu.memref_slice %dma_wait3A_709[%add3A_666, %dma_wait3A_710] : memref<100x100xi32, #tpu.memory_space<hbm>> -> memref<1x100xi32, #tpu.memory_space<hbm>>
      %dma_wait3A_712 = tpu.memref_squeeze %dma_wait3A_711 : memref<1x100xi32, #tpu.memory_space<hbm>> -> memref<100xi32, #tpu.memory_space<hbm>>
      %dma_wait3A_713 = arith.constant 0 : i32
      %dma_wait3A_714 = arith.constant 0 : i32
      %dma_wait3A_715 = tpu.memref_slice %arg6[%scan3A_357, %dma_wait3A_713, %dma_wait3A_714] : memref<3x2x100xi32, #tpu.memory_space<vmem>> -> memref<1x2x100xi32, #tpu.memory_space<vmem>>
      %dma_wait3A_716 = tpu.memref_squeeze %dma_wait3A_715 : memref<1x2x100xi32, #tpu.memory_space<vmem>> -> memref<2x100xi32, #tpu.memory_space<vmem>>
      %dma_wait3A_717 = arith.constant 0 : i32
      %dma_wait3A_718 = tpu.memref_slice %dma_wait3A_716[%dma_wait3A_698, %dma_wait3A_717] : memref<2x100xi32, #tpu.memory_space<vmem>> -> memref<1x100xi32, #tpu.memory_space<vmem>>
      %dma_wait3A_719 = tpu.memref_squeeze %dma_wait3A_718 : memref<1x100xi32, #tpu.memory_space<vmem>> -> memref<100xi32, #tpu.memory_space<vmem>>
      %dma_wait3A_720 = arith.constant 0 : i32
      %dma_wait3A_721 = arith.constant 0 : i32
      %dma_wait3A_722 = tpu.memref_slice %arg3[%add3A_697, %dma_wait3A_720, %dma_wait3A_721] : memref<64x100x100xi32, #tpu.memory_space<hbm>> -> memref<1x100x100xi32, #tpu.memory_space<hbm>>
      %dma_wait3A_723 = tpu.memref_squeeze %dma_wait3A_722 : memref<1x100x100xi32, #tpu.memory_space<hbm>> -> memref<100x100xi32, #tpu.memory_space<hbm>>
      %dma_wait3A_724 = arith.constant 0 : i32
      %dma_wait3A_725 = tpu.memref_slice %dma_wait3A_723[%add3A_666, %dma_wait3A_724] : memref<100x100xi32, #tpu.memory_space<hbm>> -> memref<1x100xi32, #tpu.memory_space<hbm>>
      %dma_wait3A_726 = tpu.memref_squeeze %dma_wait3A_725 : memref<1x100xi32, #tpu.memory_space<hbm>> -> memref<100xi32, #tpu.memory_space<hbm>>
      tpu.wait_dma2 semaphore(%arg14 : memref<!tpu.dma_semaphore, #tpu.memory_space<semaphore_mem>>) src(%dma_wait3A_726 : memref<100xi32, #tpu.memory_space<hbm>>) dst(%dma_wait3A_719 : memref<100xi32, #tpu.memory_space<vmem>>)
      %dma_start3A_727 = arith.constant 0 : i32
      %dma_start3A_728 = arith.constant 200 : i32
      %dma_start3A_729 = arith.constant 0 : i32
      %dma_start3A_730 = tpu.memref_slice %arg7[%dma_start3A_728, %dma_start3A_729] : memref<300x128xf32, #tpu.memory_space<vmem>> -> memref<100x128xf32, #tpu.memory_space<vmem>>
      %dma_start3A_731 = arith.constant 0 : i32
      %dma_start3A_732 = arith.constant 0 : i32
      %dma_start3A_733 = tpu.memref_slice %arg6[%scan3A_357, %dma_start3A_731, %dma_start3A_732] : memref<3x2x100xi32, #tpu.memory_space<vmem>> -> memref<1x2x100xi32, #tpu.memory_space<vmem>>
      %dma_start3A_734 = tpu.memref_squeeze %dma_start3A_733 : memref<1x2x100xi32, #tpu.memory_space<vmem>> -> memref<2x100xi32, #tpu.memory_space<vmem>>
      %dma_start3A_735 = arith.constant 0 : i32
      %dma_start3A_736 = tpu.memref_slice %dma_start3A_734[%dma_start3A_727, %dma_start3A_735] : memref<2x100xi32, #tpu.memory_space<vmem>> -> memref<1x100xi32, #tpu.memory_space<vmem>>
      %dma_start3A_737 = tpu.memref_squeeze %dma_start3A_736 : memref<1x100xi32, #tpu.memory_space<vmem>> -> memref<100xi32, #tpu.memory_space<vmem>>
      %dma_start3A_738 = arith.constant 0 : i32
      %dma_start3A_739 = arith.constant 0 : i32
      %dma_start3A_740 = tpu.memref_slice %arg2[%dma_start3A_738, %dma_start3A_739] : memref<10000x128xf32, #tpu.memory_space<hbm>> -> memref<10000x128xf32, #tpu.memory_space<hbm>>
      tpu.enqueue_indirect_dma source(%dma_start3A_740 : memref<10000x128xf32, #tpu.memory_space<hbm>>) target(%dma_start3A_730 : memref<100x128xf32, #tpu.memory_space<vmem>>) offsets(%dma_start3A_737 : memref<100xi32, #tpu.memory_space<vmem>>) semaphore(%arg11 : memref<!tpu.dma_semaphore, #tpu.memory_space<semaphore_mem>>)
      %dma_wait3A_741 = arith.constant 0 : i32
      %dma_wait3A_742 = arith.constant 0 : i32
      %dma_wait3A_743 = arith.constant 0 : i32
      %dma_wait3A_744 = tpu.memref_slice %arg7[%dma_wait3A_742, %dma_wait3A_743] : memref<300x128xf32, #tpu.memory_space<vmem>> -> memref<100x128xf32, #tpu.memory_space<vmem>>
      %dma_wait3A_745 = arith.constant 0 : i32
      %dma_wait3A_746 = arith.constant 0 : i32
      %dma_wait3A_747 = tpu.memref_slice %arg6[%scan3A_358, %dma_wait3A_745, %dma_wait3A_746] : memref<3x2x100xi32, #tpu.memory_space<vmem>> -> memref<1x2x100xi32, #tpu.memory_space<vmem>>
      %dma_wait3A_748 = tpu.memref_squeeze %dma_wait3A_747 : memref<1x2x100xi32, #tpu.memory_space<vmem>> -> memref<2x100xi32, #tpu.memory_space<vmem>>
      %dma_wait3A_749 = arith.constant 0 : i32
      %dma_wait3A_750 = tpu.memref_slice %dma_wait3A_748[%dma_wait3A_741, %dma_wait3A_749] : memref<2x100xi32, #tpu.memory_space<vmem>> -> memref<1x100xi32, #tpu.memory_space<vmem>>
      %dma_wait3A_751 = tpu.memref_squeeze %dma_wait3A_750 : memref<1x100xi32, #tpu.memory_space<vmem>> -> memref<100xi32, #tpu.memory_space<vmem>>
      %dma_wait3A_752 = arith.constant 0 : i32
      %dma_wait3A_753 = arith.constant 0 : i32
      %dma_wait3A_754 = tpu.memref_slice %arg2[%dma_wait3A_752, %dma_wait3A_753] : memref<10000x128xf32, #tpu.memory_space<hbm>> -> memref<10000x128xf32, #tpu.memory_space<hbm>>
      tpu.wait_indirect_dma semaphore(%arg9 : memref<!tpu.dma_semaphore, #tpu.memory_space<semaphore_mem>>) src(%dma_wait3A_754 : memref<10000x128xf32, #tpu.memory_space<hbm>>) dst(%dma_wait3A_744 : memref<100x128xf32, #tpu.memory_space<vmem>>)
      %run_scoped3A_755 = arith.constant 1 : i32
      "tpu.region"() ({
        %run_scoped3A_1128 = tpu.sem_alloc : memref<!tpu.dma_semaphore, #tpu.memory_space<semaphore_mem>>
        %dma_start3A_1129 = arith.constant 0 : i32
        %dma_start3A_1130 = arith.constant 0 : i32
        %dma_start3A_1131 = tpu.memref_slice %arg7[%dma_start3A_1129, %dma_start3A_1130] : memref<300x128xf32, #tpu.memory_space<vmem>> -> memref<100x128xf32, #tpu.memory_space<vmem>>
        %dma_start3A_1132 = arith.constant 0 : i32
        %dma_start3A_1133 = arith.constant 0 : i32
        %dma_start3A_1134 = tpu.memref_slice %arg6[%scan3A_358, %dma_start3A_1132, %dma_start3A_1133] : memref<3x2x100xi32, #tpu.memory_space<vmem>> -> memref<1x2x100xi32, #tpu.memory_space<vmem>>
        %dma_start3A_1135 = tpu.memref_squeeze %dma_start3A_1134 : memref<1x2x100xi32, #tpu.memory_space<vmem>> -> memref<2x100xi32, #tpu.memory_space<vmem>>
        %dma_start3A_1136 = arith.constant 0 : i32
        %dma_start3A_1137 = tpu.memref_slice %dma_start3A_1135[%run_scoped3A_755, %dma_start3A_1136] : memref<2x100xi32, #tpu.memory_space<vmem>> -> memref<1x100xi32, #tpu.memory_space<vmem>>
        %dma_start3A_1138 = tpu.memref_squeeze %dma_start3A_1137 : memref<1x100xi32, #tpu.memory_space<vmem>> -> memref<100xi32, #tpu.memory_space<vmem>>
        %dma_start3A_1139 = arith.constant 0 : i32
        %dma_start3A_1140 = arith.constant 0 : i32
        %dma_start3A_1141 = tpu.memref_slice %arg8[%dma_start3A_1139, %dma_start3A_1140] : memref<10240x128xf32, #tpu.memory_space<vmem_shared>> -> memref<10240x128xf32, #tpu.memory_space<vmem_shared>>
        tpu.enqueue_indirect_dma source(%dma_start3A_1131 : memref<100x128xf32, #tpu.memory_space<vmem>>) target(%dma_start3A_1141 : memref<10240x128xf32, #tpu.memory_space<vmem_shared>>) offsets(%dma_start3A_1138 : memref<100xi32, #tpu.memory_space<vmem>>) semaphore(%run_scoped3A_1128 : memref<!tpu.dma_semaphore, #tpu.memory_space<semaphore_mem>>) {add = true}
        %dma_wait3A_1142 = arith.constant 0 : i32
        %dma_wait3A_1143 = arith.constant 0 : i32
        %dma_wait3A_1144 = tpu.memref_slice %arg7[%dma_wait3A_1142, %dma_wait3A_1143] : memref<300x128xf32, #tpu.memory_space<vmem>> -> memref<100x128xf32, #tpu.memory_space<vmem>>
        %dma_wait3A_1145 = arith.constant 0 : i32
        %dma_wait3A_1146 = arith.constant 0 : i32
        %dma_wait3A_1147 = tpu.memref_slice %arg6[%scan3A_358, %dma_wait3A_1145, %dma_wait3A_1146] : memref<3x2x100xi32, #tpu.memory_space<vmem>> -> memref<1x2x100xi32, #tpu.memory_space<vmem>>
        %dma_wait3A_1148 = tpu.memref_squeeze %dma_wait3A_1147 : memref<1x2x100xi32, #tpu.memory_space<vmem>> -> memref<2x100xi32, #tpu.memory_space<vmem>>
        %dma_wait3A_1149 = arith.constant 0 : i32
        %dma_wait3A_1150 = tpu.memref_slice %dma_wait3A_1148[%run_scoped3A_755, %dma_wait3A_1149] : memref<2x100xi32, #tpu.memory_space<vmem>> -> memref<1x100xi32, #tpu.memory_space<vmem>>
        %dma_wait3A_1151 = tpu.memref_squeeze %dma_wait3A_1150 : memref<1x100xi32, #tpu.memory_space<vmem>> -> memref<100xi32, #tpu.memory_space<vmem>>
        %dma_wait3A_1152 = arith.constant 0 : i32
        %dma_wait3A_1153 = arith.constant 0 : i32
        %dma_wait3A_1154 = tpu.memref_slice %arg8[%dma_wait3A_1152, %dma_wait3A_1153] : memref<10240x128xf32, #tpu.memory_space<vmem_shared>> -> memref<10240x128xf32, #tpu.memory_space<vmem_shared>>
        tpu.wait_indirect_dma semaphore(%run_scoped3A_1128 : memref<!tpu.dma_semaphore, #tpu.memory_space<semaphore_mem>>) src(%dma_wait3A_1144 : memref<100x128xf32, #tpu.memory_space<vmem>>) dst(%dma_wait3A_1154 : memref<10240x128xf32, #tpu.memory_space<vmem_shared>>)
        tpu.yield
      }) : () -> ()
      %add3A_756 = arith.constant 3 : i32
      %add3A_757 = arith.addi %mul3A_664, %add3A_756 : i32
      %dma_start3A_758 = arith.constant 0 : i32
      %dma_start3A_759 = arith.constant 0 : i32
      %dma_start3A_760 = arith.constant 0 : i32
      %dma_start3A_761 = tpu.memref_slice %arg6[%scan3A_358, %dma_start3A_759, %dma_start3A_760] : memref<3x2x100xi32, #tpu.memory_space<vmem>> -> memref<1x2x100xi32, #tpu.memory_space<vmem>>
      %dma_start3A_762 = tpu.memref_squeeze %dma_start3A_761 : memref<1x2x100xi32, #tpu.memory_space<vmem>> -> memref<2x100xi32, #tpu.memory_space<vmem>>
      %dma_start3A_763 = arith.constant 0 : i32
      %dma_start3A_764 = tpu.memref_slice %dma_start3A_762[%dma_start3A_758, %dma_start3A_763] : memref<2x100xi32, #tpu.memory_space<vmem>> -> memref<1x100xi32, #tpu.memory_space<vmem>>
      %dma_start3A_765 = tpu.memref_squeeze %dma_start3A_764 : memref<1x100xi32, #tpu.memory_space<vmem>> -> memref<100xi32, #tpu.memory_space<vmem>>
      %dma_start3A_766 = arith.constant 0 : i32
      %dma_start3A_767 = arith.constant 0 : i32
      %dma_start3A_768 = tpu.memref_slice %arg3[%add3A, %dma_start3A_766, %dma_start3A_767] : memref<64x100x100xi32, #tpu.memory_space<hbm>> -> memref<1x100x100xi32, #tpu.memory_space<hbm>>
      %dma_start3A_769 = tpu.memref_squeeze %dma_start3A_768 : memref<1x100x100xi32, #tpu.memory_space<hbm>> -> memref<100x100xi32, #tpu.memory_space<hbm>>
      %dma_start3A_770 = arith.constant 0 : i32
      %dma_start3A_771 = tpu.memref_slice %dma_start3A_769[%add3A_757, %dma_start3A_770] : memref<100x100xi32, #tpu.memory_space<hbm>> -> memref<1x100xi32, #tpu.memory_space<hbm>>
      %dma_start3A_772 = tpu.memref_squeeze %dma_start3A_771 : memref<1x100xi32, #tpu.memory_space<hbm>> -> memref<100xi32, #tpu.memory_space<hbm>>
      %dma_start3A_773 = arith.constant 0 : i32
      %dma_start3A_774 = arith.constant 0 : i32
      %dma_start3A_775 = tpu.memref_slice %arg6[%scan3A_358, %dma_start3A_773, %dma_start3A_774] : memref<3x2x100xi32, #tpu.memory_space<vmem>> -> memref<1x2x100xi32, #tpu.memory_space<vmem>>
      %dma_start3A_776 = tpu.memref_squeeze %dma_start3A_775 : memref<1x2x100xi32, #tpu.memory_space<vmem>> -> memref<2x100xi32, #tpu.memory_space<vmem>>
      %dma_start3A_777 = arith.constant 0 : i32
      %dma_start3A_778 = tpu.memref_slice %dma_start3A_776[%dma_start3A_758, %dma_start3A_777] : memref<2x100xi32, #tpu.memory_space<vmem>> -> memref<1x100xi32, #tpu.memory_space<vmem>>
      %dma_start3A_779 = tpu.memref_squeeze %dma_start3A_778 : memref<1x100xi32, #tpu.memory_space<vmem>> -> memref<100xi32, #tpu.memory_space<vmem>>
      %dma_start3A_780 = arith.constant 0 : i32
      %dma_start3A_781 = arith.constant 0 : i32
      %dma_start3A_782 = tpu.memref_slice %arg3[%add3A, %dma_start3A_780, %dma_start3A_781] : memref<64x100x100xi32, #tpu.memory_space<hbm>> -> memref<1x100x100xi32, #tpu.memory_space<hbm>>
      %dma_start3A_783 = tpu.memref_squeeze %dma_start3A_782 : memref<1x100x100xi32, #tpu.memory_space<hbm>> -> memref<100x100xi32, #tpu.memory_space<hbm>>
      %dma_start3A_784 = arith.constant 0 : i32
      %dma_start3A_785 = tpu.memref_slice %dma_start3A_783[%add3A_757, %dma_start3A_784] : memref<100x100xi32, #tpu.memory_space<hbm>> -> memref<1x100xi32, #tpu.memory_space<hbm>>
      %dma_start3A_786 = tpu.memref_squeeze %dma_start3A_785 : memref<1x100xi32, #tpu.memory_space<hbm>> -> memref<100xi32, #tpu.memory_space<hbm>>
      tpu.enqueue_dma source(%dma_start3A_786 : memref<100xi32, #tpu.memory_space<hbm>>) target(%dma_start3A_779 : memref<100xi32, #tpu.memory_space<vmem>>) target_semaphore(%arg12 : memref<!tpu.dma_semaphore, #tpu.memory_space<semaphore_mem>>)
      %add3A_787 = arith.constant 32 : i32
      %add3A_788 = arith.addi %add3A_787, %add3A : i32
      %dma_start3A_789 = arith.constant 1 : i32
      %dma_start3A_790 = arith.constant 0 : i32
      %dma_start3A_791 = arith.constant 0 : i32
      %dma_start3A_792 = tpu.memref_slice %arg6[%scan3A_358, %dma_start3A_790, %dma_start3A_791] : memref<3x2x100xi32, #tpu.memory_space<vmem>> -> memref<1x2x100xi32, #tpu.memory_space<vmem>>
      %dma_start3A_793 = tpu.memref_squeeze %dma_start3A_792 : memref<1x2x100xi32, #tpu.memory_space<vmem>> -> memref<2x100xi32, #tpu.memory_space<vmem>>
      %dma_start3A_794 = arith.constant 0 : i32
      %dma_start3A_795 = tpu.memref_slice %dma_start3A_793[%dma_start3A_789, %dma_start3A_794] : memref<2x100xi32, #tpu.memory_space<vmem>> -> memref<1x100xi32, #tpu.memory_space<vmem>>
      %dma_start3A_796 = tpu.memref_squeeze %dma_start3A_795 : memref<1x100xi32, #tpu.memory_space<vmem>> -> memref<100xi32, #tpu.memory_space<vmem>>
      %dma_start3A_797 = arith.constant 0 : i32
      %dma_start3A_798 = arith.constant 0 : i32
      %dma_start3A_799 = tpu.memref_slice %arg3[%add3A_788, %dma_start3A_797, %dma_start3A_798] : memref<64x100x100xi32, #tpu.memory_space<hbm>> -> memref<1x100x100xi32, #tpu.memory_space<hbm>>
      %dma_start3A_800 = tpu.memref_squeeze %dma_start3A_799 : memref<1x100x100xi32, #tpu.memory_space<hbm>> -> memref<100x100xi32, #tpu.memory_space<hbm>>
      %dma_start3A_801 = arith.constant 0 : i32
      %dma_start3A_802 = tpu.memref_slice %dma_start3A_800[%add3A_757, %dma_start3A_801] : memref<100x100xi32, #tpu.memory_space<hbm>> -> memref<1x100xi32, #tpu.memory_space<hbm>>
      %dma_start3A_803 = tpu.memref_squeeze %dma_start3A_802 : memref<1x100xi32, #tpu.memory_space<hbm>> -> memref<100xi32, #tpu.memory_space<hbm>>
      %dma_start3A_804 = arith.constant 0 : i32
      %dma_start3A_805 = arith.constant 0 : i32
      %dma_start3A_806 = tpu.memref_slice %arg6[%scan3A_358, %dma_start3A_804, %dma_start3A_805] : memref<3x2x100xi32, #tpu.memory_space<vmem>> -> memref<1x2x100xi32, #tpu.memory_space<vmem>>
      %dma_start3A_807 = tpu.memref_squeeze %dma_start3A_806 : memref<1x2x100xi32, #tpu.memory_space<vmem>> -> memref<2x100xi32, #tpu.memory_space<vmem>>
      %dma_start3A_808 = arith.constant 0 : i32
      %dma_start3A_809 = tpu.memref_slice %dma_start3A_807[%dma_start3A_789, %dma_start3A_808] : memref<2x100xi32, #tpu.memory_space<vmem>> -> memref<1x100xi32, #tpu.memory_space<vmem>>
      %dma_start3A_810 = tpu.memref_squeeze %dma_start3A_809 : memref<1x100xi32, #tpu.memory_space<vmem>> -> memref<100xi32, #tpu.memory_space<vmem>>
      %dma_start3A_811 = arith.constant 0 : i32
      %dma_start3A_812 = arith.constant 0 : i32
      %dma_start3A_813 = tpu.memref_slice %arg3[%add3A_788, %dma_start3A_811, %dma_start3A_812] : memref<64x100x100xi32, #tpu.memory_space<hbm>> -> memref<1x100x100xi32, #tpu.memory_space<hbm>>
      %dma_start3A_814 = tpu.memref_squeeze %dma_start3A_813 : memref<1x100x100xi32, #tpu.memory_space<hbm>> -> memref<100x100xi32, #tpu.memory_space<hbm>>
      %dma_start3A_815 = arith.constant 0 : i32
      %dma_start3A_816 = tpu.memref_slice %dma_start3A_814[%add3A_757, %dma_start3A_815] : memref<100x100xi32, #tpu.memory_space<hbm>> -> memref<1x100xi32, #tpu.memory_space<hbm>>
      %dma_start3A_817 = tpu.memref_squeeze %dma_start3A_816 : memref<1x100xi32, #tpu.memory_space<hbm>> -> memref<100xi32, #tpu.memory_space<hbm>>
      tpu.enqueue_dma source(%dma_start3A_817 : memref<100xi32, #tpu.memory_space<hbm>>) target(%dma_start3A_810 : memref<100xi32, #tpu.memory_space<vmem>>) target_semaphore(%arg12 : memref<!tpu.dma_semaphore, #tpu.memory_space<semaphore_mem>>)
      %add3A_818 = arith.constant 1 : i32
      %add3A_819 = arith.addi %mul3A_664, %add3A_818 : i32
      %add3A_820 = arith.constant 2 : i32
      %add3A_821 = arith.addi %add3A_819, %add3A_820 : i32
      %dma_wait3A_822 = arith.constant 0 : i32
      %dma_wait3A_823 = arith.constant 0 : i32
      %dma_wait3A_824 = arith.constant 0 : i32
      %dma_wait3A_825 = tpu.memref_slice %arg6[%scan3A_358, %dma_wait3A_823, %dma_wait3A_824] : memref<3x2x100xi32, #tpu.memory_space<vmem>> -> memref<1x2x100xi32, #tpu.memory_space<vmem>>
      %dma_wait3A_826 = tpu.memref_squeeze %dma_wait3A_825 : memref<1x2x100xi32, #tpu.memory_space<vmem>> -> memref<2x100xi32, #tpu.memory_space<vmem>>
      %dma_wait3A_827 = arith.constant 0 : i32
      %dma_wait3A_828 = tpu.memref_slice %dma_wait3A_826[%dma_wait3A_822, %dma_wait3A_827] : memref<2x100xi32, #tpu.memory_space<vmem>> -> memref<1x100xi32, #tpu.memory_space<vmem>>
      %dma_wait3A_829 = tpu.memref_squeeze %dma_wait3A_828 : memref<1x100xi32, #tpu.memory_space<vmem>> -> memref<100xi32, #tpu.memory_space<vmem>>
      %dma_wait3A_830 = arith.constant 0 : i32
      %dma_wait3A_831 = arith.constant 0 : i32
      %dma_wait3A_832 = tpu.memref_slice %arg3[%add3A, %dma_wait3A_830, %dma_wait3A_831] : memref<64x100x100xi32, #tpu.memory_space<hbm>> -> memref<1x100x100xi32, #tpu.memory_space<hbm>>
      %dma_wait3A_833 = tpu.memref_squeeze %dma_wait3A_832 : memref<1x100x100xi32, #tpu.memory_space<hbm>> -> memref<100x100xi32, #tpu.memory_space<hbm>>
      %dma_wait3A_834 = arith.constant 0 : i32
      %dma_wait3A_835 = tpu.memref_slice %dma_wait3A_833[%add3A_821, %dma_wait3A_834] : memref<100x100xi32, #tpu.memory_space<hbm>> -> memref<1x100xi32, #tpu.memory_space<hbm>>
      %dma_wait3A_836 = tpu.memref_squeeze %dma_wait3A_835 : memref<1x100xi32, #tpu.memory_space<hbm>> -> memref<100xi32, #tpu.memory_space<hbm>>
      %dma_wait3A_837 = arith.constant 0 : i32
      %dma_wait3A_838 = arith.constant 0 : i32
      %dma_wait3A_839 = tpu.memref_slice %arg6[%scan3A_358, %dma_wait3A_837, %dma_wait3A_838] : memref<3x2x100xi32, #tpu.memory_space<vmem>> -> memref<1x2x100xi32, #tpu.memory_space<vmem>>
      %dma_wait3A_840 = tpu.memref_squeeze %dma_wait3A_839 : memref<1x2x100xi32, #tpu.memory_space<vmem>> -> memref<2x100xi32, #tpu.memory_space<vmem>>
      %dma_wait3A_841 = arith.constant 0 : i32
      %dma_wait3A_842 = tpu.memref_slice %dma_wait3A_840[%dma_wait3A_822, %dma_wait3A_841] : memref<2x100xi32, #tpu.memory_space<vmem>> -> memref<1x100xi32, #tpu.memory_space<vmem>>
      %dma_wait3A_843 = tpu.memref_squeeze %dma_wait3A_842 : memref<1x100xi32, #tpu.memory_space<vmem>> -> memref<100xi32, #tpu.memory_space<vmem>>
      %dma_wait3A_844 = arith.constant 0 : i32
      %dma_wait3A_845 = arith.constant 0 : i32
      %dma_wait3A_846 = tpu.memref_slice %arg3[%add3A, %dma_wait3A_844, %dma_wait3A_845] : memref<64x100x100xi32, #tpu.memory_space<hbm>> -> memref<1x100x100xi32, #tpu.memory_space<hbm>>
      %dma_wait3A_847 = tpu.memref_squeeze %dma_wait3A_846 : memref<1x100x100xi32, #tpu.memory_space<hbm>> -> memref<100x100xi32, #tpu.memory_space<hbm>>
      %dma_wait3A_848 = arith.constant 0 : i32
      %dma_wait3A_849 = tpu.memref_slice %dma_wait3A_847[%add3A_821, %dma_wait3A_848] : memref<100x100xi32, #tpu.memory_space<hbm>> -> memref<1x100xi32, #tpu.memory_space<hbm>>
      %dma_wait3A_850 = tpu.memref_squeeze %dma_wait3A_849 : memref<1x100xi32, #tpu.memory_space<hbm>> -> memref<100xi32, #tpu.memory_space<hbm>>
      tpu.wait_dma2 semaphore(%arg12 : memref<!tpu.dma_semaphore, #tpu.memory_space<semaphore_mem>>) src(%dma_wait3A_850 : memref<100xi32, #tpu.memory_space<hbm>>) dst(%dma_wait3A_843 : memref<100xi32, #tpu.memory_space<vmem>>)
      %add3A_851 = arith.constant 32 : i32
      %add3A_852 = arith.addi %add3A_851, %add3A : i32
      %dma_wait3A_853 = arith.constant 1 : i32
      %dma_wait3A_854 = arith.constant 0 : i32
      %dma_wait3A_855 = arith.constant 0 : i32
      %dma_wait3A_856 = tpu.memref_slice %arg6[%scan3A_358, %dma_wait3A_854, %dma_wait3A_855] : memref<3x2x100xi32, #tpu.memory_space<vmem>> -> memref<1x2x100xi32, #tpu.memory_space<vmem>>
      %dma_wait3A_857 = tpu.memref_squeeze %dma_wait3A_856 : memref<1x2x100xi32, #tpu.memory_space<vmem>> -> memref<2x100xi32, #tpu.memory_space<vmem>>
      %dma_wait3A_858 = arith.constant 0 : i32
      %dma_wait3A_859 = tpu.memref_slice %dma_wait3A_857[%dma_wait3A_853, %dma_wait3A_858] : memref<2x100xi32, #tpu.memory_space<vmem>> -> memref<1x100xi32, #tpu.memory_space<vmem>>
      %dma_wait3A_860 = tpu.memref_squeeze %dma_wait3A_859 : memref<1x100xi32, #tpu.memory_space<vmem>> -> memref<100xi32, #tpu.memory_space<vmem>>
      %dma_wait3A_861 = arith.constant 0 : i32
      %dma_wait3A_862 = arith.constant 0 : i32
      %dma_wait3A_863 = tpu.memref_slice %arg3[%add3A_852, %dma_wait3A_861, %dma_wait3A_862] : memref<64x100x100xi32, #tpu.memory_space<hbm>> -> memref<1x100x100xi32, #tpu.memory_space<hbm>>
      %dma_wait3A_864 = tpu.memref_squeeze %dma_wait3A_863 : memref<1x100x100xi32, #tpu.memory_space<hbm>> -> memref<100x100xi32, #tpu.memory_space<hbm>>
      %dma_wait3A_865 = arith.constant 0 : i32
      %dma_wait3A_866 = tpu.memref_slice %dma_wait3A_864[%add3A_821, %dma_wait3A_865] : memref<100x100xi32, #tpu.memory_space<hbm>> -> memref<1x100xi32, #tpu.memory_space<hbm>>
      %dma_wait3A_867 = tpu.memref_squeeze %dma_wait3A_866 : memref<1x100xi32, #tpu.memory_space<hbm>> -> memref<100xi32, #tpu.memory_space<hbm>>
      %dma_wait3A_868 = arith.constant 0 : i32
      %dma_wait3A_869 = arith.constant 0 : i32
      %dma_wait3A_870 = tpu.memref_slice %arg6[%scan3A_358, %dma_wait3A_868, %dma_wait3A_869] : memref<3x2x100xi32, #tpu.memory_space<vmem>> -> memref<1x2x100xi32, #tpu.memory_space<vmem>>
      %dma_wait3A_871 = tpu.memref_squeeze %dma_wait3A_870 : memref<1x2x100xi32, #tpu.memory_space<vmem>> -> memref<2x100xi32, #tpu.memory_space<vmem>>
      %dma_wait3A_872 = arith.constant 0 : i32
      %dma_wait3A_873 = tpu.memref_slice %dma_wait3A_871[%dma_wait3A_853, %dma_wait3A_872] : memref<2x100xi32, #tpu.memory_space<vmem>> -> memref<1x100xi32, #tpu.memory_space<vmem>>
      %dma_wait3A_874 = tpu.memref_squeeze %dma_wait3A_873 : memref<1x100xi32, #tpu.memory_space<vmem>> -> memref<100xi32, #tpu.memory_space<vmem>>
      %dma_wait3A_875 = arith.constant 0 : i32
      %dma_wait3A_876 = arith.constant 0 : i32
      %dma_wait3A_877 = tpu.memref_slice %arg3[%add3A_852, %dma_wait3A_875, %dma_wait3A_876] : memref<64x100x100xi32, #tpu.memory_space<hbm>> -> memref<1x100x100xi32, #tpu.memory_space<hbm>>
      %dma_wait3A_878 = tpu.memref_squeeze %dma_wait3A_877 : memref<1x100x100xi32, #tpu.memory_space<hbm>> -> memref<100x100xi32, #tpu.memory_space<hbm>>
      %dma_wait3A_879 = arith.constant 0 : i32
      %dma_wait3A_880 = tpu.memref_slice %dma_wait3A_878[%add3A_821, %dma_wait3A_879] : memref<100x100xi32, #tpu.memory_space<hbm>> -> memref<1x100xi32, #tpu.memory_space<hbm>>
      %dma_wait3A_881 = tpu.memref_squeeze %dma_wait3A_880 : memref<1x100xi32, #tpu.memory_space<hbm>> -> memref<100xi32, #tpu.memory_space<hbm>>
      tpu.wait_dma2 semaphore(%arg12 : memref<!tpu.dma_semaphore, #tpu.memory_space<semaphore_mem>>) src(%dma_wait3A_881 : memref<100xi32, #tpu.memory_space<hbm>>) dst(%dma_wait3A_874 : memref<100xi32, #tpu.memory_space<vmem>>)
      %dma_start3A_882 = arith.constant 0 : i32
      %dma_start3A_883 = arith.constant 0 : i32
      %dma_start3A_884 = arith.constant 0 : i32
      %dma_start3A_885 = tpu.memref_slice %arg7[%dma_start3A_883, %dma_start3A_884] : memref<300x128xf32, #tpu.memory_space<vmem>> -> memref<100x128xf32, #tpu.memory_space<vmem>>
      %dma_start3A_886 = arith.constant 0 : i32
      %dma_start3A_887 = arith.constant 0 : i32
      %dma_start3A_888 = tpu.memref_slice %arg6[%scan3A_358, %dma_start3A_886, %dma_start3A_887] : memref<3x2x100xi32, #tpu.memory_space<vmem>> -> memref<1x2x100xi32, #tpu.memory_space<vmem>>
      %dma_start3A_889 = tpu.memref_squeeze %dma_start3A_888 : memref<1x2x100xi32, #tpu.memory_space<vmem>> -> memref<2x100xi32, #tpu.memory_space<vmem>>
      %dma_start3A_890 = arith.constant 0 : i32
      %dma_start3A_891 = tpu.memref_slice %dma_start3A_889[%dma_start3A_882, %dma_start3A_890] : memref<2x100xi32, #tpu.memory_space<vmem>> -> memref<1x100xi32, #tpu.memory_space<vmem>>
      %dma_start3A_892 = tpu.memref_squeeze %dma_start3A_891 : memref<1x100xi32, #tpu.memory_space<vmem>> -> memref<100xi32, #tpu.memory_space<vmem>>
      %dma_start3A_893 = arith.constant 0 : i32
      %dma_start3A_894 = arith.constant 0 : i32
      %dma_start3A_895 = tpu.memref_slice %arg2[%dma_start3A_893, %dma_start3A_894] : memref<10000x128xf32, #tpu.memory_space<hbm>> -> memref<10000x128xf32, #tpu.memory_space<hbm>>
      tpu.enqueue_indirect_dma source(%dma_start3A_895 : memref<10000x128xf32, #tpu.memory_space<hbm>>) target(%dma_start3A_885 : memref<100x128xf32, #tpu.memory_space<vmem>>) offsets(%dma_start3A_892 : memref<100xi32, #tpu.memory_space<vmem>>) semaphore(%arg9 : memref<!tpu.dma_semaphore, #tpu.memory_space<semaphore_mem>>)
      %dma_wait3A_896 = arith.constant 0 : i32
      %dma_wait3A_897 = arith.constant 100 : i32
      %dma_wait3A_898 = arith.constant 0 : i32
      %dma_wait3A_899 = tpu.memref_slice %arg7[%dma_wait3A_897, %dma_wait3A_898] : memref<300x128xf32, #tpu.memory_space<vmem>> -> memref<100x128xf32, #tpu.memory_space<vmem>>
      %dma_wait3A_900 = arith.constant 0 : i32
      %dma_wait3A_901 = arith.constant 0 : i32
      %dma_wait3A_902 = tpu.memref_slice %arg6[%scan3A_359, %dma_wait3A_900, %dma_wait3A_901] : memref<3x2x100xi32, #tpu.memory_space<vmem>> -> memref<1x2x100xi32, #tpu.memory_space<vmem>>
      %dma_wait3A_903 = tpu.memref_squeeze %dma_wait3A_902 : memref<1x2x100xi32, #tpu.memory_space<vmem>> -> memref<2x100xi32, #tpu.memory_space<vmem>>
      %dma_wait3A_904 = arith.constant 0 : i32
      %dma_wait3A_905 = tpu.memref_slice %dma_wait3A_903[%dma_wait3A_896, %dma_wait3A_904] : memref<2x100xi32, #tpu.memory_space<vmem>> -> memref<1x100xi32, #tpu.memory_space<vmem>>
      %dma_wait3A_906 = tpu.memref_squeeze %dma_wait3A_905 : memref<1x100xi32, #tpu.memory_space<vmem>> -> memref<100xi32, #tpu.memory_space<vmem>>
      %dma_wait3A_907 = arith.constant 0 : i32
      %dma_wait3A_908 = arith.constant 0 : i32
      %dma_wait3A_909 = tpu.memref_slice %arg2[%dma_wait3A_907, %dma_wait3A_908] : memref<10000x128xf32, #tpu.memory_space<hbm>> -> memref<10000x128xf32, #tpu.memory_space<hbm>>
      tpu.wait_indirect_dma semaphore(%arg10 : memref<!tpu.dma_semaphore, #tpu.memory_space<semaphore_mem>>) src(%dma_wait3A_909 : memref<10000x128xf32, #tpu.memory_space<hbm>>) dst(%dma_wait3A_899 : memref<100x128xf32, #tpu.memory_space<vmem>>)
      %run_scoped3A_910 = arith.constant 1 : i32
      "tpu.region"() ({
        %run_scoped3A_1128 = tpu.sem_alloc : memref<!tpu.dma_semaphore, #tpu.memory_space<semaphore_mem>>
        %dma_start3A_1129 = arith.constant 100 : i32
        %dma_start3A_1130 = arith.constant 0 : i32
        %dma_start3A_1131 = tpu.memref_slice %arg7[%dma_start3A_1129, %dma_start3A_1130] : memref<300x128xf32, #tpu.memory_space<vmem>> -> memref<100x128xf32, #tpu.memory_space<vmem>>
        %dma_start3A_1132 = arith.constant 0 : i32
        %dma_start3A_1133 = arith.constant 0 : i32
        %dma_start3A_1134 = tpu.memref_slice %arg6[%scan3A_359, %dma_start3A_1132, %dma_start3A_1133] : memref<3x2x100xi32, #tpu.memory_space<vmem>> -> memref<1x2x100xi32, #tpu.memory_space<vmem>>
        %dma_start3A_1135 = tpu.memref_squeeze %dma_start3A_1134 : memref<1x2x100xi32, #tpu.memory_space<vmem>> -> memref<2x100xi32, #tpu.memory_space<vmem>>
        %dma_start3A_1136 = arith.constant 0 : i32
        %dma_start3A_1137 = tpu.memref_slice %dma_start3A_1135[%run_scoped3A_910, %dma_start3A_1136] : memref<2x100xi32, #tpu.memory_space<vmem>> -> memref<1x100xi32, #tpu.memory_space<vmem>>
        %dma_start3A_1138 = tpu.memref_squeeze %dma_start3A_1137 : memref<1x100xi32, #tpu.memory_space<vmem>> -> memref<100xi32, #tpu.memory_space<vmem>>
        %dma_start3A_1139 = arith.constant 0 : i32
        %dma_start3A_1140 = arith.constant 0 : i32
        %dma_start3A_1141 = tpu.memref_slice %arg8[%dma_start3A_1139, %dma_start3A_1140] : memref<10240x128xf32, #tpu.memory_space<vmem_shared>> -> memref<10240x128xf32, #tpu.memory_space<vmem_shared>>
        tpu.enqueue_indirect_dma source(%dma_start3A_1131 : memref<100x128xf32, #tpu.memory_space<vmem>>) target(%dma_start3A_1141 : memref<10240x128xf32, #tpu.memory_space<vmem_shared>>) offsets(%dma_start3A_1138 : memref<100xi32, #tpu.memory_space<vmem>>) semaphore(%run_scoped3A_1128 : memref<!tpu.dma_semaphore, #tpu.memory_space<semaphore_mem>>) {add = true}
        %dma_wait3A_1142 = arith.constant 100 : i32
        %dma_wait3A_1143 = arith.constant 0 : i32
        %dma_wait3A_1144 = tpu.memref_slice %arg7[%dma_wait3A_1142, %dma_wait3A_1143] : memref<300x128xf32, #tpu.memory_space<vmem>> -> memref<100x128xf32, #tpu.memory_space<vmem>>
        %dma_wait3A_1145 = arith.constant 0 : i32
        %dma_wait3A_1146 = arith.constant 0 : i32
        %dma_wait3A_1147 = tpu.memref_slice %arg6[%scan3A_359, %dma_wait3A_1145, %dma_wait3A_1146] : memref<3x2x100xi32, #tpu.memory_space<vmem>> -> memref<1x2x100xi32, #tpu.memory_space<vmem>>
        %dma_wait3A_1148 = tpu.memref_squeeze %dma_wait3A_1147 : memref<1x2x100xi32, #tpu.memory_space<vmem>> -> memref<2x100xi32, #tpu.memory_space<vmem>>
        %dma_wait3A_1149 = arith.constant 0 : i32
        %dma_wait3A_1150 = tpu.memref_slice %dma_wait3A_1148[%run_scoped3A_910, %dma_wait3A_1149] : memref<2x100xi32, #tpu.memory_space<vmem>> -> memref<1x100xi32, #tpu.memory_space<vmem>>
        %dma_wait3A_1151 = tpu.memref_squeeze %dma_wait3A_1150 : memref<1x100xi32, #tpu.memory_space<vmem>> -> memref<100xi32, #tpu.memory_space<vmem>>
        %dma_wait3A_1152 = arith.constant 0 : i32
        %dma_wait3A_1153 = arith.constant 0 : i32
        %dma_wait3A_1154 = tpu.memref_slice %arg8[%dma_wait3A_1152, %dma_wait3A_1153] : memref<10240x128xf32, #tpu.memory_space<vmem_shared>> -> memref<10240x128xf32, #tpu.memory_space<vmem_shared>>
        tpu.wait_indirect_dma semaphore(%run_scoped3A_1128 : memref<!tpu.dma_semaphore, #tpu.memory_space<semaphore_mem>>) src(%dma_wait3A_1144 : memref<100x128xf32, #tpu.memory_space<vmem>>) dst(%dma_wait3A_1154 : memref<10240x128xf32, #tpu.memory_space<vmem_shared>>)
        tpu.yield
      }) : () -> ()
      %add3A_911 = arith.constant 3 : i32
      %add3A_912 = arith.addi %add3A_819, %add3A_911 : i32
      %dma_start3A_913 = arith.constant 0 : i32
      %dma_start3A_914 = arith.constant 0 : i32
      %dma_start3A_915 = arith.constant 0 : i32
      %dma_start3A_916 = tpu.memref_slice %arg6[%scan3A_359, %dma_start3A_914, %dma_start3A_915] : memref<3x2x100xi32, #tpu.memory_space<vmem>> -> memref<1x2x100xi32, #tpu.memory_space<vmem>>
      %dma_start3A_917 = tpu.memref_squeeze %dma_start3A_916 : memref<1x2x100xi32, #tpu.memory_space<vmem>> -> memref<2x100xi32, #tpu.memory_space<vmem>>
      %dma_start3A_918 = arith.constant 0 : i32
      %dma_start3A_919 = tpu.memref_slice %dma_start3A_917[%dma_start3A_913, %dma_start3A_918] : memref<2x100xi32, #tpu.memory_space<vmem>> -> memref<1x100xi32, #tpu.memory_space<vmem>>
      %dma_start3A_920 = tpu.memref_squeeze %dma_start3A_919 : memref<1x100xi32, #tpu.memory_space<vmem>> -> memref<100xi32, #tpu.memory_space<vmem>>
      %dma_start3A_921 = arith.constant 0 : i32
      %dma_start3A_922 = arith.constant 0 : i32
      %dma_start3A_923 = tpu.memref_slice %arg3[%add3A, %dma_start3A_921, %dma_start3A_922] : memref<64x100x100xi32, #tpu.memory_space<hbm>> -> memref<1x100x100xi32, #tpu.memory_space<hbm>>
      %dma_start3A_924 = tpu.memref_squeeze %dma_start3A_923 : memref<1x100x100xi32, #tpu.memory_space<hbm>> -> memref<100x100xi32, #tpu.memory_space<hbm>>
      %dma_start3A_925 = arith.constant 0 : i32
      %dma_start3A_926 = tpu.memref_slice %dma_start3A_924[%add3A_912, %dma_start3A_925] : memref<100x100xi32, #tpu.memory_space<hbm>> -> memref<1x100xi32, #tpu.memory_space<hbm>>
      %dma_start3A_927 = tpu.memref_squeeze %dma_start3A_926 : memref<1x100xi32, #tpu.memory_space<hbm>> -> memref<100xi32, #tpu.memory_space<hbm>>
      %dma_start3A_928 = arith.constant 0 : i32
      %dma_start3A_929 = arith.constant 0 : i32
      %dma_start3A_930 = tpu.memref_slice %arg6[%scan3A_359, %dma_start3A_928, %dma_start3A_929] : memref<3x2x100xi32, #tpu.memory_space<vmem>> -> memref<1x2x100xi32, #tpu.memory_space<vmem>>
      %dma_start3A_931 = tpu.memref_squeeze %dma_start3A_930 : memref<1x2x100xi32, #tpu.memory_space<vmem>> -> memref<2x100xi32, #tpu.memory_space<vmem>>
      %dma_start3A_932 = arith.constant 0 : i32
      %dma_start3A_933 = tpu.memref_slice %dma_start3A_931[%dma_start3A_913, %dma_start3A_932] : memref<2x100xi32, #tpu.memory_space<vmem>> -> memref<1x100xi32, #tpu.memory_space<vmem>>
      %dma_start3A_934 = tpu.memref_squeeze %dma_start3A_933 : memref<1x100xi32, #tpu.memory_space<vmem>> -> memref<100xi32, #tpu.memory_space<vmem>>
      %dma_start3A_935 = arith.constant 0 : i32
      %dma_start3A_936 = arith.constant 0 : i32
      %dma_start3A_937 = tpu.memref_slice %arg3[%add3A, %dma_start3A_935, %dma_start3A_936] : memref<64x100x100xi32, #tpu.memory_space<hbm>> -> memref<1x100x100xi32, #tpu.memory_space<hbm>>
      %dma_start3A_938 = tpu.memref_squeeze %dma_start3A_937 : memref<1x100x100xi32, #tpu.memory_space<hbm>> -> memref<100x100xi32, #tpu.memory_space<hbm>>
      %dma_start3A_939 = arith.constant 0 : i32
      %dma_start3A_940 = tpu.memref_slice %dma_start3A_938[%add3A_912, %dma_start3A_939] : memref<100x100xi32, #tpu.memory_space<hbm>> -> memref<1x100xi32, #tpu.memory_space<hbm>>
      %dma_start3A_941 = tpu.memref_squeeze %dma_start3A_940 : memref<1x100xi32, #tpu.memory_space<hbm>> -> memref<100xi32, #tpu.memory_space<hbm>>
      tpu.enqueue_dma source(%dma_start3A_941 : memref<100xi32, #tpu.memory_space<hbm>>) target(%dma_start3A_934 : memref<100xi32, #tpu.memory_space<vmem>>) target_semaphore(%arg13 : memref<!tpu.dma_semaphore, #tpu.memory_space<semaphore_mem>>)
      %add3A_942 = arith.constant 32 : i32
      %add3A_943 = arith.addi %add3A_942, %add3A : i32
      %dma_start3A_944 = arith.constant 1 : i32
      %dma_start3A_945 = arith.constant 0 : i32
      %dma_start3A_946 = arith.constant 0 : i32
      %dma_start3A_947 = tpu.memref_slice %arg6[%scan3A_359, %dma_start3A_945, %dma_start3A_946] : memref<3x2x100xi32, #tpu.memory_space<vmem>> -> memref<1x2x100xi32, #tpu.memory_space<vmem>>
      %dma_start3A_948 = tpu.memref_squeeze %dma_start3A_947 : memref<1x2x100xi32, #tpu.memory_space<vmem>> -> memref<2x100xi32, #tpu.memory_space<vmem>>
      %dma_start3A_949 = arith.constant 0 : i32
      %dma_start3A_950 = tpu.memref_slice %dma_start3A_948[%dma_start3A_944, %dma_start3A_949] : memref<2x100xi32, #tpu.memory_space<vmem>> -> memref<1x100xi32, #tpu.memory_space<vmem>>
      %dma_start3A_951 = tpu.memref_squeeze %dma_start3A_950 : memref<1x100xi32, #tpu.memory_space<vmem>> -> memref<100xi32, #tpu.memory_space<vmem>>
      %dma_start3A_952 = arith.constant 0 : i32
      %dma_start3A_953 = arith.constant 0 : i32
      %dma_start3A_954 = tpu.memref_slice %arg3[%add3A_943, %dma_start3A_952, %dma_start3A_953] : memref<64x100x100xi32, #tpu.memory_space<hbm>> -> memref<1x100x100xi32, #tpu.memory_space<hbm>>
      %dma_start3A_955 = tpu.memref_squeeze %dma_start3A_954 : memref<1x100x100xi32, #tpu.memory_space<hbm>> -> memref<100x100xi32, #tpu.memory_space<hbm>>
      %dma_start3A_956 = arith.constant 0 : i32
      %dma_start3A_957 = tpu.memref_slice %dma_start3A_955[%add3A_912, %dma_start3A_956] : memref<100x100xi32, #tpu.memory_space<hbm>> -> memref<1x100xi32, #tpu.memory_space<hbm>>
      %dma_start3A_958 = tpu.memref_squeeze %dma_start3A_957 : memref<1x100xi32, #tpu.memory_space<hbm>> -> memref<100xi32, #tpu.memory_space<hbm>>
      %dma_start3A_959 = arith.constant 0 : i32
      %dma_start3A_960 = arith.constant 0 : i32
      %dma_start3A_961 = tpu.memref_slice %arg6[%scan3A_359, %dma_start3A_959, %dma_start3A_960] : memref<3x2x100xi32, #tpu.memory_space<vmem>> -> memref<1x2x100xi32, #tpu.memory_space<vmem>>
      %dma_start3A_962 = tpu.memref_squeeze %dma_start3A_961 : memref<1x2x100xi32, #tpu.memory_space<vmem>> -> memref<2x100xi32, #tpu.memory_space<vmem>>
      %dma_start3A_963 = arith.constant 0 : i32
      %dma_start3A_964 = tpu.memref_slice %dma_start3A_962[%dma_start3A_944, %dma_start3A_963] : memref<2x100xi32, #tpu.memory_space<vmem>> -> memref<1x100xi32, #tpu.memory_space<vmem>>
      %dma_start3A_965 = tpu.memref_squeeze %dma_start3A_964 : memref<1x100xi32, #tpu.memory_space<vmem>> -> memref<100xi32, #tpu.memory_space<vmem>>
      %dma_start3A_966 = arith.constant 0 : i32
      %dma_start3A_967 = arith.constant 0 : i32
      %dma_start3A_968 = tpu.memref_slice %arg3[%add3A_943, %dma_start3A_966, %dma_start3A_967] : memref<64x100x100xi32, #tpu.memory_space<hbm>> -> memref<1x100x100xi32, #tpu.memory_space<hbm>>
      %dma_start3A_969 = tpu.memref_squeeze %dma_start3A_968 : memref<1x100x100xi32, #tpu.memory_space<hbm>> -> memref<100x100xi32, #tpu.memory_space<hbm>>
      %dma_start3A_970 = arith.constant 0 : i32
      %dma_start3A_971 = tpu.memref_slice %dma_start3A_969[%add3A_912, %dma_start3A_970] : memref<100x100xi32, #tpu.memory_space<hbm>> -> memref<1x100xi32, #tpu.memory_space<hbm>>
      %dma_start3A_972 = tpu.memref_squeeze %dma_start3A_971 : memref<1x100xi32, #tpu.memory_space<hbm>> -> memref<100xi32, #tpu.memory_space<hbm>>
      tpu.enqueue_dma source(%dma_start3A_972 : memref<100xi32, #tpu.memory_space<hbm>>) target(%dma_start3A_965 : memref<100xi32, #tpu.memory_space<vmem>>) target_semaphore(%arg13 : memref<!tpu.dma_semaphore, #tpu.memory_space<semaphore_mem>>)
      %add3A_973 = arith.constant 2 : i32
      %add3A_974 = arith.addi %mul3A_664, %add3A_973 : i32
      %add3A_975 = arith.constant 2 : i32
      %add3A_976 = arith.addi %add3A_974, %add3A_975 : i32
      %dma_wait3A_977 = arith.constant 0 : i32
      %dma_wait3A_978 = arith.constant 0 : i32
      %dma_wait3A_979 = arith.constant 0 : i32
      %dma_wait3A_980 = tpu.memref_slice %arg6[%scan3A_359, %dma_wait3A_978, %dma_wait3A_979] : memref<3x2x100xi32, #tpu.memory_space<vmem>> -> memref<1x2x100xi32, #tpu.memory_space<vmem>>
      %dma_wait3A_981 = tpu.memref_squeeze %dma_wait3A_980 : memref<1x2x100xi32, #tpu.memory_space<vmem>> -> memref<2x100xi32, #tpu.memory_space<vmem>>
      %dma_wait3A_982 = arith.constant 0 : i32
      %dma_wait3A_983 = tpu.memref_slice %dma_wait3A_981[%dma_wait3A_977, %dma_wait3A_982] : memref<2x100xi32, #tpu.memory_space<vmem>> -> memref<1x100xi32, #tpu.memory_space<vmem>>
      %dma_wait3A_984 = tpu.memref_squeeze %dma_wait3A_983 : memref<1x100xi32, #tpu.memory_space<vmem>> -> memref<100xi32, #tpu.memory_space<vmem>>
      %dma_wait3A_985 = arith.constant 0 : i32
      %dma_wait3A_986 = arith.constant 0 : i32
      %dma_wait3A_987 = tpu.memref_slice %arg3[%add3A, %dma_wait3A_985, %dma_wait3A_986] : memref<64x100x100xi32, #tpu.memory_space<hbm>> -> memref<1x100x100xi32, #tpu.memory_space<hbm>>
      %dma_wait3A_988 = tpu.memref_squeeze %dma_wait3A_987 : memref<1x100x100xi32, #tpu.memory_space<hbm>> -> memref<100x100xi32, #tpu.memory_space<hbm>>
      %dma_wait3A_989 = arith.constant 0 : i32
      %dma_wait3A_990 = tpu.memref_slice %dma_wait3A_988[%add3A_976, %dma_wait3A_989] : memref<100x100xi32, #tpu.memory_space<hbm>> -> memref<1x100xi32, #tpu.memory_space<hbm>>
      %dma_wait3A_991 = tpu.memref_squeeze %dma_wait3A_990 : memref<1x100xi32, #tpu.memory_space<hbm>> -> memref<100xi32, #tpu.memory_space<hbm>>
      %dma_wait3A_992 = arith.constant 0 : i32
      %dma_wait3A_993 = arith.constant 0 : i32
      %dma_wait3A_994 = tpu.memref_slice %arg6[%scan3A_359, %dma_wait3A_992, %dma_wait3A_993] : memref<3x2x100xi32, #tpu.memory_space<vmem>> -> memref<1x2x100xi32, #tpu.memory_space<vmem>>
      %dma_wait3A_995 = tpu.memref_squeeze %dma_wait3A_994 : memref<1x2x100xi32, #tpu.memory_space<vmem>> -> memref<2x100xi32, #tpu.memory_space<vmem>>
      %dma_wait3A_996 = arith.constant 0 : i32
      %dma_wait3A_997 = tpu.memref_slice %dma_wait3A_995[%dma_wait3A_977, %dma_wait3A_996] : memref<2x100xi32, #tpu.memory_space<vmem>> -> memref<1x100xi32, #tpu.memory_space<vmem>>
      %dma_wait3A_998 = tpu.memref_squeeze %dma_wait3A_997 : memref<1x100xi32, #tpu.memory_space<vmem>> -> memref<100xi32, #tpu.memory_space<vmem>>
      %dma_wait3A_999 = arith.constant 0 : i32
      %dma_wait3A_1000 = arith.constant 0 : i32
      %dma_wait3A_1001 = tpu.memref_slice %arg3[%add3A, %dma_wait3A_999, %dma_wait3A_1000] : memref<64x100x100xi32, #tpu.memory_space<hbm>> -> memref<1x100x100xi32, #tpu.memory_space<hbm>>
      %dma_wait3A_1002 = tpu.memref_squeeze %dma_wait3A_1001 : memref<1x100x100xi32, #tpu.memory_space<hbm>> -> memref<100x100xi32, #tpu.memory_space<hbm>>
      %dma_wait3A_1003 = arith.constant 0 : i32
      %dma_wait3A_1004 = tpu.memref_slice %dma_wait3A_1002[%add3A_976, %dma_wait3A_1003] : memref<100x100xi32, #tpu.memory_space<hbm>> -> memref<1x100xi32, #tpu.memory_space<hbm>>
      %dma_wait3A_1005 = tpu.memref_squeeze %dma_wait3A_1004 : memref<1x100xi32, #tpu.memory_space<hbm>> -> memref<100xi32, #tpu.memory_space<hbm>>
      tpu.wait_dma2 semaphore(%arg13 : memref<!tpu.dma_semaphore, #tpu.memory_space<semaphore_mem>>) src(%dma_wait3A_1005 : memref<100xi32, #tpu.memory_space<hbm>>) dst(%dma_wait3A_998 : memref<100xi32, #tpu.memory_space<vmem>>)
      %add3A_1006 = arith.constant 32 : i32
      %add3A_1007 = arith.addi %add3A_1006, %add3A : i32
      %dma_wait3A_1008 = arith.constant 1 : i32
      %dma_wait3A_1009 = arith.constant 0 : i32
      %dma_wait3A_1010 = arith.constant 0 : i32
      %dma_wait3A_1011 = tpu.memref_slice %arg6[%scan3A_359, %dma_wait3A_1009, %dma_wait3A_1010] : memref<3x2x100xi32, #tpu.memory_space<vmem>> -> memref<1x2x100xi32, #tpu.memory_space<vmem>>
      %dma_wait3A_1012 = tpu.memref_squeeze %dma_wait3A_1011 : memref<1x2x100xi32, #tpu.memory_space<vmem>> -> memref<2x100xi32, #tpu.memory_space<vmem>>
      %dma_wait3A_1013 = arith.constant 0 : i32
      %dma_wait3A_1014 = tpu.memref_slice %dma_wait3A_1012[%dma_wait3A_1008, %dma_wait3A_1013] : memref<2x100xi32, #tpu.memory_space<vmem>> -> memref<1x100xi32, #tpu.memory_space<vmem>>
      %dma_wait3A_1015 = tpu.memref_squeeze %dma_wait3A_1014 : memref<1x100xi32, #tpu.memory_space<vmem>> -> memref<100xi32, #tpu.memory_space<vmem>>
      %dma_wait3A_1016 = arith.constant 0 : i32
      %dma_wait3A_1017 = arith.constant 0 : i32
      %dma_wait3A_1018 = tpu.memref_slice %arg3[%add3A_1007, %dma_wait3A_1016, %dma_wait3A_1017] : memref<64x100x100xi32, #tpu.memory_space<hbm>> -> memref<1x100x100xi32, #tpu.memory_space<hbm>>
      %dma_wait3A_1019 = tpu.memref_squeeze %dma_wait3A_1018 : memref<1x100x100xi32, #tpu.memory_space<hbm>> -> memref<100x100xi32, #tpu.memory_space<hbm>>
      %dma_wait3A_1020 = arith.constant 0 : i32
      %dma_wait3A_1021 = tpu.memref_slice %dma_wait3A_1019[%add3A_976, %dma_wait3A_1020] : memref<100x100xi32, #tpu.memory_space<hbm>> -> memref<1x100xi32, #tpu.memory_space<hbm>>
      %dma_wait3A_1022 = tpu.memref_squeeze %dma_wait3A_1021 : memref<1x100xi32, #tpu.memory_space<hbm>> -> memref<100xi32, #tpu.memory_space<hbm>>
      %dma_wait3A_1023 = arith.constant 0 : i32
      %dma_wait3A_1024 = arith.constant 0 : i32
      %dma_wait3A_1025 = tpu.memref_slice %arg6[%scan3A_359, %dma_wait3A_1023, %dma_wait3A_1024] : memref<3x2x100xi32, #tpu.memory_space<vmem>> -> memref<1x2x100xi32, #tpu.memory_space<vmem>>
      %dma_wait3A_1026 = tpu.memref_squeeze %dma_wait3A_1025 : memref<1x2x100xi32, #tpu.memory_space<vmem>> -> memref<2x100xi32, #tpu.memory_space<vmem>>
      %dma_wait3A_1027 = arith.constant 0 : i32
      %dma_wait3A_1028 = tpu.memref_slice %dma_wait3A_1026[%dma_wait3A_1008, %dma_wait3A_1027] : memref<2x100xi32, #tpu.memory_space<vmem>> -> memref<1x100xi32, #tpu.memory_space<vmem>>
      %dma_wait3A_1029 = tpu.memref_squeeze %dma_wait3A_1028 : memref<1x100xi32, #tpu.memory_space<vmem>> -> memref<100xi32, #tpu.memory_space<vmem>>
      %dma_wait3A_1030 = arith.constant 0 : i32
      %dma_wait3A_1031 = arith.constant 0 : i32
      %dma_wait3A_1032 = tpu.memref_slice %arg3[%add3A_1007, %dma_wait3A_1030, %dma_wait3A_1031] : memref<64x100x100xi32, #tpu.memory_space<hbm>> -> memref<1x100x100xi32, #tpu.memory_space<hbm>>
      %dma_wait3A_1033 = tpu.memref_squeeze %dma_wait3A_1032 : memref<1x100x100xi32, #tpu.memory_space<hbm>> -> memref<100x100xi32, #tpu.memory_space<hbm>>
      %dma_wait3A_1034 = arith.constant 0 : i32
      %dma_wait3A_1035 = tpu.memref_slice %dma_wait3A_1033[%add3A_976, %dma_wait3A_1034] : memref<100x100xi32, #tpu.memory_space<hbm>> -> memref<1x100xi32, #tpu.memory_space<hbm>>
      %dma_wait3A_1036 = tpu.memref_squeeze %dma_wait3A_1035 : memref<1x100xi32, #tpu.memory_space<hbm>> -> memref<100xi32, #tpu.memory_space<hbm>>
      tpu.wait_dma2 semaphore(%arg13 : memref<!tpu.dma_semaphore, #tpu.memory_space<semaphore_mem>>) src(%dma_wait3A_1036 : memref<100xi32, #tpu.memory_space<hbm>>) dst(%dma_wait3A_1029 : memref<100xi32, #tpu.memory_space<vmem>>)
      %dma_start3A_1037 = arith.constant 0 : i32
      %dma_start3A_1038 = arith.constant 100 : i32
      %dma_start3A_1039 = arith.constant 0 : i32
      %dma_start3A_1040 = tpu.memref_slice %arg7[%dma_start3A_1038, %dma_start3A_1039] : memref<300x128xf32, #tpu.memory_space<vmem>> -> memref<100x128xf32, #tpu.memory_space<vmem>>
      %dma_start3A_1041 = arith.constant 0 : i32
      %dma_start3A_1042 = arith.constant 0 : i32
      %dma_start3A_1043 = tpu.memref_slice %arg6[%scan3A_359, %dma_start3A_1041, %dma_start3A_1042] : memref<3x2x100xi32, #tpu.memory_space<vmem>> -> memref<1x2x100xi32, #tpu.memory_space<vmem>>
      %dma_start3A_1044 = tpu.memref_squeeze %dma_start3A_1043 : memref<1x2x100xi32, #tpu.memory_space<vmem>> -> memref<2x100xi32, #tpu.memory_space<vmem>>
      %dma_start3A_1045 = arith.constant 0 : i32
      %dma_start3A_1046 = tpu.memref_slice %dma_start3A_1044[%dma_start3A_1037, %dma_start3A_1045] : memref<2x100xi32, #tpu.memory_space<vmem>> -> memref<1x100xi32, #tpu.memory_space<vmem>>
      %dma_start3A_1047 = tpu.memref_squeeze %dma_start3A_1046 : memref<1x100xi32, #tpu.memory_space<vmem>> -> memref<100xi32, #tpu.memory_space<vmem>>
      %dma_start3A_1048 = arith.constant 0 : i32
      %dma_start3A_1049 = arith.constant 0 : i32
      %dma_start3A_1050 = tpu.memref_slice %arg2[%dma_start3A_1048, %dma_start3A_1049] : memref<10000x128xf32, #tpu.memory_space<hbm>> -> memref<10000x128xf32, #tpu.memory_space<hbm>>
      tpu.enqueue_indirect_dma source(%dma_start3A_1050 : memref<10000x128xf32, #tpu.memory_space<hbm>>) target(%dma_start3A_1040 : memref<100x128xf32, #tpu.memory_space<vmem>>) offsets(%dma_start3A_1047 : memref<100xi32, #tpu.memory_space<vmem>>) semaphore(%arg10 : memref<!tpu.dma_semaphore, #tpu.memory_space<semaphore_mem>>)
      %dma_wait3A_1051 = arith.constant 0 : i32
      %dma_wait3A_1052 = arith.constant 200 : i32
      %dma_wait3A_1053 = arith.constant 0 : i32
      %dma_wait3A_1054 = tpu.memref_slice %arg7[%dma_wait3A_1052, %dma_wait3A_1053] : memref<300x128xf32, #tpu.memory_space<vmem>> -> memref<100x128xf32, #tpu.memory_space<vmem>>
      %dma_wait3A_1055 = arith.constant 0 : i32
      %dma_wait3A_1056 = arith.constant 0 : i32
      %dma_wait3A_1057 = tpu.memref_slice %arg6[%scan3A_357, %dma_wait3A_1055, %dma_wait3A_1056] : memref<3x2x100xi32, #tpu.memory_space<vmem>> -> memref<1x2x100xi32, #tpu.memory_space<vmem>>
      %dma_wait3A_1058 = tpu.memref_squeeze %dma_wait3A_1057 : memref<1x2x100xi32, #tpu.memory_space<vmem>> -> memref<2x100xi32, #tpu.memory_space<vmem>>
      %dma_wait3A_1059 = arith.constant 0 : i32
      %dma_wait3A_1060 = tpu.memref_slice %dma_wait3A_1058[%dma_wait3A_1051, %dma_wait3A_1059] : memref<2x100xi32, #tpu.memory_space<vmem>> -> memref<1x100xi32, #tpu.memory_space<vmem>>
      %dma_wait3A_1061 = tpu.memref_squeeze %dma_wait3A_1060 : memref<1x100xi32, #tpu.memory_space<vmem>> -> memref<100xi32, #tpu.memory_space<vmem>>
      %dma_wait3A_1062 = arith.constant 0 : i32
      %dma_wait3A_1063 = arith.constant 0 : i32
      %dma_wait3A_1064 = tpu.memref_slice %arg2[%dma_wait3A_1062, %dma_wait3A_1063] : memref<10000x128xf32, #tpu.memory_space<hbm>> -> memref<10000x128xf32, #tpu.memory_space<hbm>>
      tpu.wait_indirect_dma semaphore(%arg11 : memref<!tpu.dma_semaphore, #tpu.memory_space<semaphore_mem>>) src(%dma_wait3A_1064 : memref<10000x128xf32, #tpu.memory_space<hbm>>) dst(%dma_wait3A_1054 : memref<100x128xf32, #tpu.memory_space<vmem>>)
      %run_scoped3A_1065 = arith.constant 1 : i32
      "tpu.region"() ({
        %run_scoped3A_1128 = tpu.sem_alloc : memref<!tpu.dma_semaphore, #tpu.memory_space<semaphore_mem>>
        %dma_start3A_1129 = arith.constant 200 : i32
        %dma_start3A_1130 = arith.constant 0 : i32
        %dma_start3A_1131 = tpu.memref_slice %arg7[%dma_start3A_1129, %dma_start3A_1130] : memref<300x128xf32, #tpu.memory_space<vmem>> -> memref<100x128xf32, #tpu.memory_space<vmem>>
        %dma_start3A_1132 = arith.constant 0 : i32
        %dma_start3A_1133 = arith.constant 0 : i32
        %dma_start3A_1134 = tpu.memref_slice %arg6[%scan3A_357, %dma_start3A_1132, %dma_start3A_1133] : memref<3x2x100xi32, #tpu.memory_space<vmem>> -> memref<1x2x100xi32, #tpu.memory_space<vmem>>
        %dma_start3A_1135 = tpu.memref_squeeze %dma_start3A_1134 : memref<1x2x100xi32, #tpu.memory_space<vmem>> -> memref<2x100xi32, #tpu.memory_space<vmem>>
        %dma_start3A_1136 = arith.constant 0 : i32
        %dma_start3A_1137 = tpu.memref_slice %dma_start3A_1135[%run_scoped3A_1065, %dma_start3A_1136] : memref<2x100xi32, #tpu.memory_space<vmem>> -> memref<1x100xi32, #tpu.memory_space<vmem>>
        %dma_start3A_1138 = tpu.memref_squeeze %dma_start3A_1137 : memref<1x100xi32, #tpu.memory_space<vmem>> -> memref<100xi32, #tpu.memory_space<vmem>>
        %dma_start3A_1139 = arith.constant 0 : i32
        %dma_start3A_1140 = arith.constant 0 : i32
        %dma_start3A_1141 = tpu.memref_slice %arg8[%dma_start3A_1139, %dma_start3A_1140] : memref<10240x128xf32, #tpu.memory_space<vmem_shared>> -> memref<10240x128xf32, #tpu.memory_space<vmem_shared>>
        tpu.enqueue_indirect_dma source(%dma_start3A_1131 : memref<100x128xf32, #tpu.memory_space<vmem>>) target(%dma_start3A_1141 : memref<10240x128xf32, #tpu.memory_space<vmem_shared>>) offsets(%dma_start3A_1138 : memref<100xi32, #tpu.memory_space<vmem>>) semaphore(%run_scoped3A_1128 : memref<!tpu.dma_semaphore, #tpu.memory_space<semaphore_mem>>) {add = true}
        %dma_wait3A_1142 = arith.constant 200 : i32
        %dma_wait3A_1143 = arith.constant 0 : i32
        %dma_wait3A_1144 = tpu.memref_slice %arg7[%dma_wait3A_1142, %dma_wait3A_1143] : memref<300x128xf32, #tpu.memory_space<vmem>> -> memref<100x128xf32, #tpu.memory_space<vmem>>
        %dma_wait3A_1145 = arith.constant 0 : i32
        %dma_wait3A_1146 = arith.constant 0 : i32
        %dma_wait3A_1147 = tpu.memref_slice %arg6[%scan3A_357, %dma_wait3A_1145, %dma_wait3A_1146] : memref<3x2x100xi32, #tpu.memory_space<vmem>> -> memref<1x2x100xi32, #tpu.memory_space<vmem>>
        %dma_wait3A_1148 = tpu.memref_squeeze %dma_wait3A_1147 : memref<1x2x100xi32, #tpu.memory_space<vmem>> -> memref<2x100xi32, #tpu.memory_space<vmem>>
        %dma_wait3A_1149 = arith.constant 0 : i32
        %dma_wait3A_1150 = tpu.memref_slice %dma_wait3A_1148[%run_scoped3A_1065, %dma_wait3A_1149] : memref<2x100xi32, #tpu.memory_space<vmem>> -> memref<1x100xi32, #tpu.memory_space<vmem>>
        %dma_wait3A_1151 = tpu.memref_squeeze %dma_wait3A_1150 : memref<1x100xi32, #tpu.memory_space<vmem>> -> memref<100xi32, #tpu.memory_space<vmem>>
        %dma_wait3A_1152 = arith.constant 0 : i32
        %dma_wait3A_1153 = arith.constant 0 : i32
        %dma_wait3A_1154 = tpu.memref_slice %arg8[%dma_wait3A_1152, %dma_wait3A_1153] : memref<10240x128xf32, #tpu.memory_space<vmem_shared>> -> memref<10240x128xf32, #tpu.memory_space<vmem_shared>>
        tpu.wait_indirect_dma semaphore(%run_scoped3A_1128 : memref<!tpu.dma_semaphore, #tpu.memory_space<semaphore_mem>>) src(%dma_wait3A_1144 : memref<100x128xf32, #tpu.memory_space<vmem>>) dst(%dma_wait3A_1154 : memref<10240x128xf32, #tpu.memory_space<vmem_shared>>)
        tpu.yield
      }) : () -> ()
      %add3A_1066 = arith.constant 3 : i32
      %add3A_1067 = arith.addi %add3A_974, %add3A_1066 : i32
      %dma_start3A_1068 = arith.constant 0 : i32
      %dma_start3A_1069 = arith.constant 0 : i32
      %dma_start3A_1070 = arith.constant 0 : i32
      %dma_start3A_1071 = tpu.memref_slice %arg6[%scan3A_357, %dma_start3A_1069, %dma_start3A_1070] : memref<3x2x100xi32, #tpu.memory_space<vmem>> -> memref<1x2x100xi32, #tpu.memory_space<vmem>>
      %dma_start3A_1072 = tpu.memref_squeeze %dma_start3A_1071 : memref<1x2x100xi32, #tpu.memory_space<vmem>> -> memref<2x100xi32, #tpu.memory_space<vmem>>
      %dma_start3A_1073 = arith.constant 0 : i32
      %dma_start3A_1074 = tpu.memref_slice %dma_start3A_1072[%dma_start3A_1068, %dma_start3A_1073] : memref<2x100xi32, #tpu.memory_space<vmem>> -> memref<1x100xi32, #tpu.memory_space<vmem>>
      %dma_start3A_1075 = tpu.memref_squeeze %dma_start3A_1074 : memref<1x100xi32, #tpu.memory_space<vmem>> -> memref<100xi32, #tpu.memory_space<vmem>>
      %dma_start3A_1076 = arith.constant 0 : i32
      %dma_start3A_1077 = arith.constant 0 : i32
      %dma_start3A_1078 = tpu.memref_slice %arg3[%add3A, %dma_start3A_1076, %dma_start3A_1077] : memref<64x100x100xi32, #tpu.memory_space<hbm>> -> memref<1x100x100xi32, #tpu.memory_space<hbm>>
      %dma_start3A_1079 = tpu.memref_squeeze %dma_start3A_1078 : memref<1x100x100xi32, #tpu.memory_space<hbm>> -> memref<100x100xi32, #tpu.memory_space<hbm>>
      %dma_start3A_1080 = arith.constant 0 : i32
      %dma_start3A_1081 = tpu.memref_slice %dma_start3A_1079[%add3A_1067, %dma_start3A_1080] : memref<100x100xi32, #tpu.memory_space<hbm>> -> memref<1x100xi32, #tpu.memory_space<hbm>>
      %dma_start3A_1082 = tpu.memref_squeeze %dma_start3A_1081 : memref<1x100xi32, #tpu.memory_space<hbm>> -> memref<100xi32, #tpu.memory_space<hbm>>
      %dma_start3A_1083 = arith.constant 0 : i32
      %dma_start3A_1084 = arith.constant 0 : i32
      %dma_start3A_1085 = tpu.memref_slice %arg6[%scan3A_357, %dma_start3A_1083, %dma_start3A_1084] : memref<3x2x100xi32, #tpu.memory_space<vmem>> -> memref<1x2x100xi32, #tpu.memory_space<vmem>>
      %dma_start3A_1086 = tpu.memref_squeeze %dma_start3A_1085 : memref<1x2x100xi32, #tpu.memory_space<vmem>> -> memref<2x100xi32, #tpu.memory_space<vmem>>
      %dma_start3A_1087 = arith.constant 0 : i32
      %dma_start3A_1088 = tpu.memref_slice %dma_start3A_1086[%dma_start3A_1068, %dma_start3A_1087] : memref<2x100xi32, #tpu.memory_space<vmem>> -> memref<1x100xi32, #tpu.memory_space<vmem>>
      %dma_start3A_1089 = tpu.memref_squeeze %dma_start3A_1088 : memref<1x100xi32, #tpu.memory_space<vmem>> -> memref<100xi32, #tpu.memory_space<vmem>>
      %dma_start3A_1090 = arith.constant 0 : i32
      %dma_start3A_1091 = arith.constant 0 : i32
      %dma_start3A_1092 = tpu.memref_slice %arg3[%add3A, %dma_start3A_1090, %dma_start3A_1091] : memref<64x100x100xi32, #tpu.memory_space<hbm>> -> memref<1x100x100xi32, #tpu.memory_space<hbm>>
      %dma_start3A_1093 = tpu.memref_squeeze %dma_start3A_1092 : memref<1x100x100xi32, #tpu.memory_space<hbm>> -> memref<100x100xi32, #tpu.memory_space<hbm>>
      %dma_start3A_1094 = arith.constant 0 : i32
      %dma_start3A_1095 = tpu.memref_slice %dma_start3A_1093[%add3A_1067, %dma_start3A_1094] : memref<100x100xi32, #tpu.memory_space<hbm>> -> memref<1x100xi32, #tpu.memory_space<hbm>>
      %dma_start3A_1096 = tpu.memref_squeeze %dma_start3A_1095 : memref<1x100xi32, #tpu.memory_space<hbm>> -> memref<100xi32, #tpu.memory_space<hbm>>
      tpu.enqueue_dma source(%dma_start3A_1096 : memref<100xi32, #tpu.memory_space<hbm>>) target(%dma_start3A_1089 : memref<100xi32, #tpu.memory_space<vmem>>) target_semaphore(%arg14 : memref<!tpu.dma_semaphore, #tpu.memory_space<semaphore_mem>>)
      %add3A_1097 = arith.constant 32 : i32
      %add3A_1098 = arith.addi %add3A_1097, %add3A : i32
      %dma_start3A_1099 = arith.constant 1 : i32
      %dma_start3A_1100 = arith.constant 0 : i32
      %dma_start3A_1101 = arith.constant 0 : i32
      %dma_start3A_1102 = tpu.memref_slice %arg6[%scan3A_357, %dma_start3A_1100, %dma_start3A_1101] : memref<3x2x100xi32, #tpu.memory_space<vmem>> -> memref<1x2x100xi32, #tpu.memory_space<vmem>>
      %dma_start3A_1103 = tpu.memref_squeeze %dma_start3A_1102 : memref<1x2x100xi32, #tpu.memory_space<vmem>> -> memref<2x100xi32, #tpu.memory_space<vmem>>
      %dma_start3A_1104 = arith.constant 0 : i32
      %dma_start3A_1105 = tpu.memref_slice %dma_start3A_1103[%dma_start3A_1099, %dma_start3A_1104] : memref<2x100xi32, #tpu.memory_space<vmem>> -> memref<1x100xi32, #tpu.memory_space<vmem>>
      %dma_start3A_1106 = tpu.memref_squeeze %dma_start3A_1105 : memref<1x100xi32, #tpu.memory_space<vmem>> -> memref<100xi32, #tpu.memory_space<vmem>>
      %dma_start3A_1107 = arith.constant 0 : i32
      %dma_start3A_1108 = arith.constant 0 : i32
      %dma_start3A_1109 = tpu.memref_slice %arg3[%add3A_1098, %dma_start3A_1107, %dma_start3A_1108] : memref<64x100x100xi32, #tpu.memory_space<hbm>> -> memref<1x100x100xi32, #tpu.memory_space<hbm>>
      %dma_start3A_1110 = tpu.memref_squeeze %dma_start3A_1109 : memref<1x100x100xi32, #tpu.memory_space<hbm>> -> memref<100x100xi32, #tpu.memory_space<hbm>>
      %dma_start3A_1111 = arith.constant 0 : i32
      %dma_start3A_1112 = tpu.memref_slice %dma_start3A_1110[%add3A_1067, %dma_start3A_1111] : memref<100x100xi32, #tpu.memory_space<hbm>> -> memref<1x100xi32, #tpu.memory_space<hbm>>
      %dma_start3A_1113 = tpu.memref_squeeze %dma_start3A_1112 : memref<1x100xi32, #tpu.memory_space<hbm>> -> memref<100xi32, #tpu.memory_space<hbm>>
      %dma_start3A_1114 = arith.constant 0 : i32
      %dma_start3A_1115 = arith.constant 0 : i32
      %dma_start3A_1116 = tpu.memref_slice %arg6[%scan3A_357, %dma_start3A_1114, %dma_start3A_1115] : memref<3x2x100xi32, #tpu.memory_space<vmem>> -> memref<1x2x100xi32, #tpu.memory_space<vmem>>
      %dma_start3A_1117 = tpu.memref_squeeze %dma_start3A_1116 : memref<1x2x100xi32, #tpu.memory_space<vmem>> -> memref<2x100xi32, #tpu.memory_space<vmem>>
      %dma_start3A_1118 = arith.constant 0 : i32
      %dma_start3A_1119 = tpu.memref_slice %dma_start3A_1117[%dma_start3A_1099, %dma_start3A_1118] : memref<2x100xi32, #tpu.memory_space<vmem>> -> memref<1x100xi32, #tpu.memory_space<vmem>>
      %dma_start3A_1120 = tpu.memref_squeeze %dma_start3A_1119 : memref<1x100xi32, #tpu.memory_space<vmem>> -> memref<100xi32, #tpu.memory_space<vmem>>
      %dma_start3A_1121 = arith.constant 0 : i32
      %dma_start3A_1122 = arith.constant 0 : i32
      %dma_start3A_1123 = tpu.memref_slice %arg3[%add3A_1098, %dma_start3A_1121, %dma_start3A_1122] : memref<64x100x100xi32, #tpu.memory_space<hbm>> -> memref<1x100x100xi32, #tpu.memory_space<hbm>>
      %dma_start3A_1124 = tpu.memref_squeeze %dma_start3A_1123 : memref<1x100x100xi32, #tpu.memory_space<hbm>> -> memref<100x100xi32, #tpu.memory_space<hbm>>
      %dma_start3A_1125 = arith.constant 0 : i32
      %dma_start3A_1126 = tpu.memref_slice %dma_start3A_1124[%add3A_1067, %dma_start3A_1125] : memref<100x100xi32, #tpu.memory_space<hbm>> -> memref<1x100xi32, #tpu.memory_space<hbm>>
      %dma_start3A_1127 = tpu.memref_squeeze %dma_start3A_1126 : memref<1x100xi32, #tpu.memory_space<hbm>> -> memref<100xi32, #tpu.memory_space<hbm>>
      tpu.enqueue_dma source(%dma_start3A_1127 : memref<100xi32, #tpu.memory_space<hbm>>) target(%dma_start3A_1120 : memref<100xi32, #tpu.memory_space<vmem>>) target_semaphore(%arg14 : memref<!tpu.dma_semaphore, #tpu.memory_space<semaphore_mem>>)
    }
    %scan3A_364 = arith.constant 32 : i32
    %dma_wait3A_365 = arith.constant 98 : i32
    %dma_wait3A_366 = arith.constant 2 : i32
    %dma_wait3A_367 = arith.constant 0 : i32
    %dma_wait3A_368 = arith.constant 0 : i32
    %dma_wait3A_369 = arith.constant 0 : i32
    %dma_wait3A_370 = tpu.memref_slice %arg6[%dma_wait3A_366, %dma_wait3A_368, %dma_wait3A_369] : memref<3x2x100xi32, #tpu.memory_space<vmem>> -> memref<1x2x100xi32, #tpu.memory_space<vmem>>
    %dma_wait3A_371 = tpu.memref_squeeze %dma_wait3A_370 : memref<1x2x100xi32, #tpu.memory_space<vmem>> -> memref<2x100xi32, #tpu.memory_space<vmem>>
    %dma_wait3A_372 = arith.constant 0 : i32
    %dma_wait3A_373 = tpu.memref_slice %dma_wait3A_371[%dma_wait3A_367, %dma_wait3A_372] : memref<2x100xi32, #tpu.memory_space<vmem>> -> memref<1x100xi32, #tpu.memory_space<vmem>>
    %dma_wait3A_374 = tpu.memref_squeeze %dma_wait3A_373 : memref<1x100xi32, #tpu.memory_space<vmem>> -> memref<100xi32, #tpu.memory_space<vmem>>
    %dma_wait3A_375 = arith.constant 0 : i32
    %dma_wait3A_376 = arith.constant 0 : i32
    %dma_wait3A_377 = tpu.memref_slice %arg3[%add3A, %dma_wait3A_375, %dma_wait3A_376] : memref<64x100x100xi32, #tpu.memory_space<hbm>> -> memref<1x100x100xi32, #tpu.memory_space<hbm>>
    %dma_wait3A_378 = tpu.memref_squeeze %dma_wait3A_377 : memref<1x100x100xi32, #tpu.memory_space<hbm>> -> memref<100x100xi32, #tpu.memory_space<hbm>>
    %dma_wait3A_379 = arith.constant 0 : i32
    %dma_wait3A_380 = tpu.memref_slice %dma_wait3A_378[%dma_wait3A_365, %dma_wait3A_379] : memref<100x100xi32, #tpu.memory_space<hbm>> -> memref<1x100xi32, #tpu.memory_space<hbm>>
    %dma_wait3A_381 = tpu.memref_squeeze %dma_wait3A_380 : memref<1x100xi32, #tpu.memory_space<hbm>> -> memref<100xi32, #tpu.memory_space<hbm>>
    %dma_wait3A_382 = arith.constant 0 : i32
    %dma_wait3A_383 = arith.constant 0 : i32
    %dma_wait3A_384 = tpu.memref_slice %arg6[%dma_wait3A_366, %dma_wait3A_382, %dma_wait3A_383] : memref<3x2x100xi32, #tpu.memory_space<vmem>> -> memref<1x2x100xi32, #tpu.memory_space<vmem>>
    %dma_wait3A_385 = tpu.memref_squeeze %dma_wait3A_384 : memref<1x2x100xi32, #tpu.memory_space<vmem>> -> memref<2x100xi32, #tpu.memory_space<vmem>>
    %dma_wait3A_386 = arith.constant 0 : i32
    %dma_wait3A_387 = tpu.memref_slice %dma_wait3A_385[%dma_wait3A_367, %dma_wait3A_386] : memref<2x100xi32, #tpu.memory_space<vmem>> -> memref<1x100xi32, #tpu.memory_space<vmem>>
    %dma_wait3A_388 = tpu.memref_squeeze %dma_wait3A_387 : memref<1x100xi32, #tpu.memory_space<vmem>> -> memref<100xi32, #tpu.memory_space<vmem>>
    %dma_wait3A_389 = arith.constant 0 : i32
    %dma_wait3A_390 = arith.constant 0 : i32
    %dma_wait3A_391 = tpu.memref_slice %arg3[%add3A, %dma_wait3A_389, %dma_wait3A_390] : memref<64x100x100xi32, #tpu.memory_space<hbm>> -> memref<1x100x100xi32, #tpu.memory_space<hbm>>
    %dma_wait3A_392 = tpu.memref_squeeze %dma_wait3A_391 : memref<1x100x100xi32, #tpu.memory_space<hbm>> -> memref<100x100xi32, #tpu.memory_space<hbm>>
    %dma_wait3A_393 = arith.constant 0 : i32
    %dma_wait3A_394 = tpu.memref_slice %dma_wait3A_392[%dma_wait3A_365, %dma_wait3A_393] : memref<100x100xi32, #tpu.memory_space<hbm>> -> memref<1x100xi32, #tpu.memory_space<hbm>>
    %dma_wait3A_395 = tpu.memref_squeeze %dma_wait3A_394 : memref<1x100xi32, #tpu.memory_space<hbm>> -> memref<100xi32, #tpu.memory_space<hbm>>
    tpu.wait_dma2 semaphore(%arg14 : memref<!tpu.dma_semaphore, #tpu.memory_space<semaphore_mem>>) src(%dma_wait3A_395 : memref<100xi32, #tpu.memory_space<hbm>>) dst(%dma_wait3A_388 : memref<100xi32, #tpu.memory_space<vmem>>)
    %add3A_396 = arith.constant 32 : i32
    %add3A_397 = arith.addi %add3A_396, %add3A : i32
    %dma_wait3A_398 = arith.constant 98 : i32
    %dma_wait3A_399 = arith.constant 2 : i32
    %dma_wait3A_400 = arith.constant 1 : i32
    %dma_wait3A_401 = arith.constant 0 : i32
    %dma_wait3A_402 = arith.constant 0 : i32
    %dma_wait3A_403 = tpu.memref_slice %arg6[%dma_wait3A_399, %dma_wait3A_401, %dma_wait3A_402] : memref<3x2x100xi32, #tpu.memory_space<vmem>> -> memref<1x2x100xi32, #tpu.memory_space<vmem>>
    %dma_wait3A_404 = tpu.memref_squeeze %dma_wait3A_403 : memref<1x2x100xi32, #tpu.memory_space<vmem>> -> memref<2x100xi32, #tpu.memory_space<vmem>>
    %dma_wait3A_405 = arith.constant 0 : i32
    %dma_wait3A_406 = tpu.memref_slice %dma_wait3A_404[%dma_wait3A_400, %dma_wait3A_405] : memref<2x100xi32, #tpu.memory_space<vmem>> -> memref<1x100xi32, #tpu.memory_space<vmem>>
    %dma_wait3A_407 = tpu.memref_squeeze %dma_wait3A_406 : memref<1x100xi32, #tpu.memory_space<vmem>> -> memref<100xi32, #tpu.memory_space<vmem>>
    %dma_wait3A_408 = arith.constant 0 : i32
    %dma_wait3A_409 = arith.constant 0 : i32
    %dma_wait3A_410 = tpu.memref_slice %arg3[%add3A_397, %dma_wait3A_408, %dma_wait3A_409] : memref<64x100x100xi32, #tpu.memory_space<hbm>> -> memref<1x100x100xi32, #tpu.memory_space<hbm>>
    %dma_wait3A_411 = tpu.memref_squeeze %dma_wait3A_410 : memref<1x100x100xi32, #tpu.memory_space<hbm>> -> memref<100x100xi32, #tpu.memory_space<hbm>>
    %dma_wait3A_412 = arith.constant 0 : i32
    %dma_wait3A_413 = tpu.memref_slice %dma_wait3A_411[%dma_wait3A_398, %dma_wait3A_412] : memref<100x100xi32, #tpu.memory_space<hbm>> -> memref<1x100xi32, #tpu.memory_space<hbm>>
    %dma_wait3A_414 = tpu.memref_squeeze %dma_wait3A_413 : memref<1x100xi32, #tpu.memory_space<hbm>> -> memref<100xi32, #tpu.memory_space<hbm>>
    %dma_wait3A_415 = arith.constant 0 : i32
    %dma_wait3A_416 = arith.constant 0 : i32
    %dma_wait3A_417 = tpu.memref_slice %arg6[%dma_wait3A_399, %dma_wait3A_415, %dma_wait3A_416] : memref<3x2x100xi32, #tpu.memory_space<vmem>> -> memref<1x2x100xi32, #tpu.memory_space<vmem>>
    %dma_wait3A_418 = tpu.memref_squeeze %dma_wait3A_417 : memref<1x2x100xi32, #tpu.memory_space<vmem>> -> memref<2x100xi32, #tpu.memory_space<vmem>>
    %dma_wait3A_419 = arith.constant 0 : i32
    %dma_wait3A_420 = tpu.memref_slice %dma_wait3A_418[%dma_wait3A_400, %dma_wait3A_419] : memref<2x100xi32, #tpu.memory_space<vmem>> -> memref<1x100xi32, #tpu.memory_space<vmem>>
    %dma_wait3A_421 = tpu.memref_squeeze %dma_wait3A_420 : memref<1x100xi32, #tpu.memory_space<vmem>> -> memref<100xi32, #tpu.memory_space<vmem>>
    %dma_wait3A_422 = arith.constant 0 : i32
    %dma_wait3A_423 = arith.constant 0 : i32
    %dma_wait3A_424 = tpu.memref_slice %arg3[%add3A_397, %dma_wait3A_422, %dma_wait3A_423] : memref<64x100x100xi32, #tpu.memory_space<hbm>> -> memref<1x100x100xi32, #tpu.memory_space<hbm>>
    %dma_wait3A_425 = tpu.memref_squeeze %dma_wait3A_424 : memref<1x100x100xi32, #tpu.memory_space<hbm>> -> memref<100x100xi32, #tpu.memory_space<hbm>>
    %dma_wait3A_426 = arith.constant 0 : i32
    %dma_wait3A_427 = tpu.memref_slice %dma_wait3A_425[%dma_wait3A_398, %dma_wait3A_426] : memref<100x100xi32, #tpu.memory_space<hbm>> -> memref<1x100xi32, #tpu.memory_space<hbm>>
    %dma_wait3A_428 = tpu.memref_squeeze %dma_wait3A_427 : memref<1x100xi32, #tpu.memory_space<hbm>> -> memref<100xi32, #tpu.memory_space<hbm>>
    tpu.wait_dma2 semaphore(%arg14 : memref<!tpu.dma_semaphore, #tpu.memory_space<semaphore_mem>>) src(%dma_wait3A_428 : memref<100xi32, #tpu.memory_space<hbm>>) dst(%dma_wait3A_421 : memref<100xi32, #tpu.memory_space<vmem>>)
    %dma_start3A_429 = arith.constant 2 : i32
    %dma_start3A_430 = arith.constant 0 : i32
    %dma_start3A_431 = arith.constant 200 : i32
    %dma_start3A_432 = arith.constant 0 : i32
    %dma_start3A_433 = tpu.memref_slice %arg7[%dma_start3A_431, %dma_start3A_432] : memref<300x128xf32, #tpu.memory_space<vmem>> -> memref<100x128xf32, #tpu.memory_space<vmem>>
    %dma_start3A_434 = arith.constant 0 : i32
    %dma_start3A_435 = arith.constant 0 : i32
    %dma_start3A_436 = tpu.memref_slice %arg6[%dma_start3A_429, %dma_start3A_434, %dma_start3A_435] : memref<3x2x100xi32, #tpu.memory_space<vmem>> -> memref<1x2x100xi32, #tpu.memory_space<vmem>>
    %dma_start3A_437 = tpu.memref_squeeze %dma_start3A_436 : memref<1x2x100xi32, #tpu.memory_space<vmem>> -> memref<2x100xi32, #tpu.memory_space<vmem>>
    %dma_start3A_438 = arith.constant 0 : i32
    %dma_start3A_439 = tpu.memref_slice %dma_start3A_437[%dma_start3A_430, %dma_start3A_438] : memref<2x100xi32, #tpu.memory_space<vmem>> -> memref<1x100xi32, #tpu.memory_space<vmem>>
    %dma_start3A_440 = tpu.memref_squeeze %dma_start3A_439 : memref<1x100xi32, #tpu.memory_space<vmem>> -> memref<100xi32, #tpu.memory_space<vmem>>
    %dma_start3A_441 = arith.constant 0 : i32
    %dma_start3A_442 = arith.constant 0 : i32
    %dma_start3A_443 = tpu.memref_slice %arg2[%dma_start3A_441, %dma_start3A_442] : memref<10000x128xf32, #tpu.memory_space<hbm>> -> memref<10000x128xf32, #tpu.memory_space<hbm>>
    tpu.enqueue_indirect_dma source(%dma_start3A_443 : memref<10000x128xf32, #tpu.memory_space<hbm>>) target(%dma_start3A_433 : memref<100x128xf32, #tpu.memory_space<vmem>>) offsets(%dma_start3A_440 : memref<100xi32, #tpu.memory_space<vmem>>) semaphore(%arg11 : memref<!tpu.dma_semaphore, #tpu.memory_space<semaphore_mem>>)
    %dma_wait3A_444 = arith.constant 0 : i32
    %dma_wait3A_445 = arith.constant 0 : i32
    %dma_wait3A_446 = arith.constant 0 : i32
    %dma_wait3A_447 = arith.constant 0 : i32
    %dma_wait3A_448 = tpu.memref_slice %arg7[%dma_wait3A_446, %dma_wait3A_447] : memref<300x128xf32, #tpu.memory_space<vmem>> -> memref<100x128xf32, #tpu.memory_space<vmem>>
    %dma_wait3A_449 = arith.constant 0 : i32
    %dma_wait3A_450 = arith.constant 0 : i32
    %dma_wait3A_451 = tpu.memref_slice %arg6[%dma_wait3A_444, %dma_wait3A_449, %dma_wait3A_450] : memref<3x2x100xi32, #tpu.memory_space<vmem>> -> memref<1x2x100xi32, #tpu.memory_space<vmem>>
    %dma_wait3A_452 = tpu.memref_squeeze %dma_wait3A_451 : memref<1x2x100xi32, #tpu.memory_space<vmem>> -> memref<2x100xi32, #tpu.memory_space<vmem>>
    %dma_wait3A_453 = arith.constant 0 : i32
    %dma_wait3A_454 = tpu.memref_slice %dma_wait3A_452[%dma_wait3A_445, %dma_wait3A_453] : memref<2x100xi32, #tpu.memory_space<vmem>> -> memref<1x100xi32, #tpu.memory_space<vmem>>
    %dma_wait3A_455 = tpu.memref_squeeze %dma_wait3A_454 : memref<1x100xi32, #tpu.memory_space<vmem>> -> memref<100xi32, #tpu.memory_space<vmem>>
    %dma_wait3A_456 = arith.constant 0 : i32
    %dma_wait3A_457 = arith.constant 0 : i32
    %dma_wait3A_458 = tpu.memref_slice %arg2[%dma_wait3A_456, %dma_wait3A_457] : memref<10000x128xf32, #tpu.memory_space<hbm>> -> memref<10000x128xf32, #tpu.memory_space<hbm>>
    tpu.wait_indirect_dma semaphore(%arg9 : memref<!tpu.dma_semaphore, #tpu.memory_space<semaphore_mem>>) src(%dma_wait3A_458 : memref<10000x128xf32, #tpu.memory_space<hbm>>) dst(%dma_wait3A_448 : memref<100x128xf32, #tpu.memory_space<vmem>>)
    %run_scoped3A = arith.constant 0 : i32
    %run_scoped3A_459 = arith.constant 1 : i32
    "tpu.region"() ({
      %run_scoped3A_662 = tpu.sem_alloc : memref<!tpu.dma_semaphore, #tpu.memory_space<semaphore_mem>>
      %dma_start3A_663 = arith.constant 0 : i32
      %dma_start3A_664 = arith.constant 0 : i32
      %dma_start3A_665 = tpu.memref_slice %arg7[%dma_start3A_663, %dma_start3A_664] : memref<300x128xf32, #tpu.memory_space<vmem>> -> memref<100x128xf32, #tpu.memory_space<vmem>>
      %dma_start3A_666 = arith.constant 0 : i32
      %dma_start3A_667 = arith.constant 0 : i32
      %dma_start3A_668 = tpu.memref_slice %arg6[%run_scoped3A, %dma_start3A_666, %dma_start3A_667] : memref<3x2x100xi32, #tpu.memory_space<vmem>> -> memref<1x2x100xi32, #tpu.memory_space<vmem>>
      %dma_start3A_669 = tpu.memref_squeeze %dma_start3A_668 : memref<1x2x100xi32, #tpu.memory_space<vmem>> -> memref<2x100xi32, #tpu.memory_space<vmem>>
      %dma_start3A_670 = arith.constant 0 : i32
      %dma_start3A_671 = tpu.memref_slice %dma_start3A_669[%run_scoped3A_459, %dma_start3A_670] : memref<2x100xi32, #tpu.memory_space<vmem>> -> memref<1x100xi32, #tpu.memory_space<vmem>>
      %dma_start3A_672 = tpu.memref_squeeze %dma_start3A_671 : memref<1x100xi32, #tpu.memory_space<vmem>> -> memref<100xi32, #tpu.memory_space<vmem>>
      %dma_start3A_673 = arith.constant 0 : i32
      %dma_start3A_674 = arith.constant 0 : i32
      %dma_start3A_675 = tpu.memref_slice %arg8[%dma_start3A_673, %dma_start3A_674] : memref<10240x128xf32, #tpu.memory_space<vmem_shared>> -> memref<10240x128xf32, #tpu.memory_space<vmem_shared>>
      tpu.enqueue_indirect_dma source(%dma_start3A_665 : memref<100x128xf32, #tpu.memory_space<vmem>>) target(%dma_start3A_675 : memref<10240x128xf32, #tpu.memory_space<vmem_shared>>) offsets(%dma_start3A_672 : memref<100xi32, #tpu.memory_space<vmem>>) semaphore(%run_scoped3A_662 : memref<!tpu.dma_semaphore, #tpu.memory_space<semaphore_mem>>) {add = true}
      %dma_wait3A_676 = arith.constant 0 : i32
      %dma_wait3A_677 = arith.constant 0 : i32
      %dma_wait3A_678 = tpu.memref_slice %arg7[%dma_wait3A_676, %dma_wait3A_677] : memref<300x128xf32, #tpu.memory_space<vmem>> -> memref<100x128xf32, #tpu.memory_space<vmem>>
      %dma_wait3A_679 = arith.constant 0 : i32
      %dma_wait3A_680 = arith.constant 0 : i32
      %dma_wait3A_681 = tpu.memref_slice %arg6[%run_scoped3A, %dma_wait3A_679, %dma_wait3A_680] : memref<3x2x100xi32, #tpu.memory_space<vmem>> -> memref<1x2x100xi32, #tpu.memory_space<vmem>>
      %dma_wait3A_682 = tpu.memref_squeeze %dma_wait3A_681 : memref<1x2x100xi32, #tpu.memory_space<vmem>> -> memref<2x100xi32, #tpu.memory_space<vmem>>
      %dma_wait3A_683 = arith.constant 0 : i32
      %dma_wait3A_684 = tpu.memref_slice %dma_wait3A_682[%run_scoped3A_459, %dma_wait3A_683] : memref<2x100xi32, #tpu.memory_space<vmem>> -> memref<1x100xi32, #tpu.memory_space<vmem>>
      %dma_wait3A_685 = tpu.memref_squeeze %dma_wait3A_684 : memref<1x100xi32, #tpu.memory_space<vmem>> -> memref<100xi32, #tpu.memory_space<vmem>>
      %dma_wait3A_686 = arith.constant 0 : i32
      %dma_wait3A_687 = arith.constant 0 : i32
      %dma_wait3A_688 = tpu.memref_slice %arg8[%dma_wait3A_686, %dma_wait3A_687] : memref<10240x128xf32, #tpu.memory_space<vmem_shared>> -> memref<10240x128xf32, #tpu.memory_space<vmem_shared>>
      tpu.wait_indirect_dma semaphore(%run_scoped3A_662 : memref<!tpu.dma_semaphore, #tpu.memory_space<semaphore_mem>>) src(%dma_wait3A_678 : memref<100x128xf32, #tpu.memory_space<vmem>>) dst(%dma_wait3A_688 : memref<10240x128xf32, #tpu.memory_space<vmem_shared>>)
      tpu.yield
    }) : () -> ()
    %dma_start3A_460 = arith.constant 99 : i32
    %dma_start3A_461 = arith.constant 0 : i32
    %dma_start3A_462 = arith.constant 0 : i32
    %dma_start3A_463 = arith.constant 0 : i32
    %dma_start3A_464 = arith.constant 0 : i32
    %dma_start3A_465 = tpu.memref_slice %arg6[%dma_start3A_461, %dma_start3A_463, %dma_start3A_464] : memref<3x2x100xi32, #tpu.memory_space<vmem>> -> memref<1x2x100xi32, #tpu.memory_space<vmem>>
    %dma_start3A_466 = tpu.memref_squeeze %dma_start3A_465 : memref<1x2x100xi32, #tpu.memory_space<vmem>> -> memref<2x100xi32, #tpu.memory_space<vmem>>
    %dma_start3A_467 = arith.constant 0 : i32
    %dma_start3A_468 = tpu.memref_slice %dma_start3A_466[%dma_start3A_462, %dma_start3A_467] : memref<2x100xi32, #tpu.memory_space<vmem>> -> memref<1x100xi32, #tpu.memory_space<vmem>>
    %dma_start3A_469 = tpu.memref_squeeze %dma_start3A_468 : memref<1x100xi32, #tpu.memory_space<vmem>> -> memref<100xi32, #tpu.memory_space<vmem>>
    %dma_start3A_470 = arith.constant 0 : i32
    %dma_start3A_471 = arith.constant 0 : i32
    %dma_start3A_472 = tpu.memref_slice %arg3[%add3A, %dma_start3A_470, %dma_start3A_471] : memref<64x100x100xi32, #tpu.memory_space<hbm>> -> memref<1x100x100xi32, #tpu.memory_space<hbm>>
    %dma_start3A_473 = tpu.memref_squeeze %dma_start3A_472 : memref<1x100x100xi32, #tpu.memory_space<hbm>> -> memref<100x100xi32, #tpu.memory_space<hbm>>
    %dma_start3A_474 = arith.constant 0 : i32
    %dma_start3A_475 = tpu.memref_slice %dma_start3A_473[%dma_start3A_460, %dma_start3A_474] : memref<100x100xi32, #tpu.memory_space<hbm>> -> memref<1x100xi32, #tpu.memory_space<hbm>>
    %dma_start3A_476 = tpu.memref_squeeze %dma_start3A_475 : memref<1x100xi32, #tpu.memory_space<hbm>> -> memref<100xi32, #tpu.memory_space<hbm>>
    %dma_start3A_477 = arith.constant 0 : i32
    %dma_start3A_478 = arith.constant 0 : i32
    %dma_start3A_479 = tpu.memref_slice %arg6[%dma_start3A_461, %dma_start3A_477, %dma_start3A_478] : memref<3x2x100xi32, #tpu.memory_space<vmem>> -> memref<1x2x100xi32, #tpu.memory_space<vmem>>
    %dma_start3A_480 = tpu.memref_squeeze %dma_start3A_479 : memref<1x2x100xi32, #tpu.memory_space<vmem>> -> memref<2x100xi32, #tpu.memory_space<vmem>>
    %dma_start3A_481 = arith.constant 0 : i32
    %dma_start3A_482 = tpu.memref_slice %dma_start3A_480[%dma_start3A_462, %dma_start3A_481] : memref<2x100xi32, #tpu.memory_space<vmem>> -> memref<1x100xi32, #tpu.memory_space<vmem>>
    %dma_start3A_483 = tpu.memref_squeeze %dma_start3A_482 : memref<1x100xi32, #tpu.memory_space<vmem>> -> memref<100xi32, #tpu.memory_space<vmem>>
    %dma_start3A_484 = arith.constant 0 : i32
    %dma_start3A_485 = arith.constant 0 : i32
    %dma_start3A_486 = tpu.memref_slice %arg3[%add3A, %dma_start3A_484, %dma_start3A_485] : memref<64x100x100xi32, #tpu.memory_space<hbm>> -> memref<1x100x100xi32, #tpu.memory_space<hbm>>
    %dma_start3A_487 = tpu.memref_squeeze %dma_start3A_486 : memref<1x100x100xi32, #tpu.memory_space<hbm>> -> memref<100x100xi32, #tpu.memory_space<hbm>>
    %dma_start3A_488 = arith.constant 0 : i32
    %dma_start3A_489 = tpu.memref_slice %dma_start3A_487[%dma_start3A_460, %dma_start3A_488] : memref<100x100xi32, #tpu.memory_space<hbm>> -> memref<1x100xi32, #tpu.memory_space<hbm>>
    %dma_start3A_490 = tpu.memref_squeeze %dma_start3A_489 : memref<1x100xi32, #tpu.memory_space<hbm>> -> memref<100xi32, #tpu.memory_space<hbm>>
    tpu.enqueue_dma source(%dma_start3A_490 : memref<100xi32, #tpu.memory_space<hbm>>) target(%dma_start3A_483 : memref<100xi32, #tpu.memory_space<vmem>>) target_semaphore(%arg12 : memref<!tpu.dma_semaphore, #tpu.memory_space<semaphore_mem>>)
    %add3A_491 = arith.constant 32 : i32
    %add3A_492 = arith.addi %add3A_491, %add3A : i32
    %dma_start3A_493 = arith.constant 99 : i32
    %dma_start3A_494 = arith.constant 0 : i32
    %dma_start3A_495 = arith.constant 1 : i32
    %dma_start3A_496 = arith.constant 0 : i32
    %dma_start3A_497 = arith.constant 0 : i32
    %dma_start3A_498 = tpu.memref_slice %arg6[%dma_start3A_494, %dma_start3A_496, %dma_start3A_497] : memref<3x2x100xi32, #tpu.memory_space<vmem>> -> memref<1x2x100xi32, #tpu.memory_space<vmem>>
    %dma_start3A_499 = tpu.memref_squeeze %dma_start3A_498 : memref<1x2x100xi32, #tpu.memory_space<vmem>> -> memref<2x100xi32, #tpu.memory_space<vmem>>
    %dma_start3A_500 = arith.constant 0 : i32
    %dma_start3A_501 = tpu.memref_slice %dma_start3A_499[%dma_start3A_495, %dma_start3A_500] : memref<2x100xi32, #tpu.memory_space<vmem>> -> memref<1x100xi32, #tpu.memory_space<vmem>>
    %dma_start3A_502 = tpu.memref_squeeze %dma_start3A_501 : memref<1x100xi32, #tpu.memory_space<vmem>> -> memref<100xi32, #tpu.memory_space<vmem>>
    %dma_start3A_503 = arith.constant 0 : i32
    %dma_start3A_504 = arith.constant 0 : i32
    %dma_start3A_505 = tpu.memref_slice %arg3[%add3A_492, %dma_start3A_503, %dma_start3A_504] : memref<64x100x100xi32, #tpu.memory_space<hbm>> -> memref<1x100x100xi32, #tpu.memory_space<hbm>>
    %dma_start3A_506 = tpu.memref_squeeze %dma_start3A_505 : memref<1x100x100xi32, #tpu.memory_space<hbm>> -> memref<100x100xi32, #tpu.memory_space<hbm>>
    %dma_start3A_507 = arith.constant 0 : i32
    %dma_start3A_508 = tpu.memref_slice %dma_start3A_506[%dma_start3A_493, %dma_start3A_507] : memref<100x100xi32, #tpu.memory_space<hbm>> -> memref<1x100xi32, #tpu.memory_space<hbm>>
    %dma_start3A_509 = tpu.memref_squeeze %dma_start3A_508 : memref<1x100xi32, #tpu.memory_space<hbm>> -> memref<100xi32, #tpu.memory_space<hbm>>
    %dma_start3A_510 = arith.constant 0 : i32
    %dma_start3A_511 = arith.constant 0 : i32
    %dma_start3A_512 = tpu.memref_slice %arg6[%dma_start3A_494, %dma_start3A_510, %dma_start3A_511] : memref<3x2x100xi32, #tpu.memory_space<vmem>> -> memref<1x2x100xi32, #tpu.memory_space<vmem>>
    %dma_start3A_513 = tpu.memref_squeeze %dma_start3A_512 : memref<1x2x100xi32, #tpu.memory_space<vmem>> -> memref<2x100xi32, #tpu.memory_space<vmem>>
    %dma_start3A_514 = arith.constant 0 : i32
    %dma_start3A_515 = tpu.memref_slice %dma_start3A_513[%dma_start3A_495, %dma_start3A_514] : memref<2x100xi32, #tpu.memory_space<vmem>> -> memref<1x100xi32, #tpu.memory_space<vmem>>
    %dma_start3A_516 = tpu.memref_squeeze %dma_start3A_515 : memref<1x100xi32, #tpu.memory_space<vmem>> -> memref<100xi32, #tpu.memory_space<vmem>>
    %dma_start3A_517 = arith.constant 0 : i32
    %dma_start3A_518 = arith.constant 0 : i32
    %dma_start3A_519 = tpu.memref_slice %arg3[%add3A_492, %dma_start3A_517, %dma_start3A_518] : memref<64x100x100xi32, #tpu.memory_space<hbm>> -> memref<1x100x100xi32, #tpu.memory_space<hbm>>
    %dma_start3A_520 = tpu.memref_squeeze %dma_start3A_519 : memref<1x100x100xi32, #tpu.memory_space<hbm>> -> memref<100x100xi32, #tpu.memory_space<hbm>>
    %dma_start3A_521 = arith.constant 0 : i32
    %dma_start3A_522 = tpu.memref_slice %dma_start3A_520[%dma_start3A_493, %dma_start3A_521] : memref<100x100xi32, #tpu.memory_space<hbm>> -> memref<1x100xi32, #tpu.memory_space<hbm>>
    %dma_start3A_523 = tpu.memref_squeeze %dma_start3A_522 : memref<1x100xi32, #tpu.memory_space<hbm>> -> memref<100xi32, #tpu.memory_space<hbm>>
    tpu.enqueue_dma source(%dma_start3A_523 : memref<100xi32, #tpu.memory_space<hbm>>) target(%dma_start3A_516 : memref<100xi32, #tpu.memory_space<vmem>>) target_semaphore(%arg12 : memref<!tpu.dma_semaphore, #tpu.memory_space<semaphore_mem>>)
    %dma_wait3A_524 = arith.constant 99 : i32
    %dma_wait3A_525 = arith.constant 0 : i32
    %dma_wait3A_526 = arith.constant 0 : i32
    %dma_wait3A_527 = arith.constant 0 : i32
    %dma_wait3A_528 = arith.constant 0 : i32
    %dma_wait3A_529 = tpu.memref_slice %arg6[%dma_wait3A_525, %dma_wait3A_527, %dma_wait3A_528] : memref<3x2x100xi32, #tpu.memory_space<vmem>> -> memref<1x2x100xi32, #tpu.memory_space<vmem>>
    %dma_wait3A_530 = tpu.memref_squeeze %dma_wait3A_529 : memref<1x2x100xi32, #tpu.memory_space<vmem>> -> memref<2x100xi32, #tpu.memory_space<vmem>>
    %dma_wait3A_531 = arith.constant 0 : i32
    %dma_wait3A_532 = tpu.memref_slice %dma_wait3A_530[%dma_wait3A_526, %dma_wait3A_531] : memref<2x100xi32, #tpu.memory_space<vmem>> -> memref<1x100xi32, #tpu.memory_space<vmem>>
    %dma_wait3A_533 = tpu.memref_squeeze %dma_wait3A_532 : memref<1x100xi32, #tpu.memory_space<vmem>> -> memref<100xi32, #tpu.memory_space<vmem>>
    %dma_wait3A_534 = arith.constant 0 : i32
    %dma_wait3A_535 = arith.constant 0 : i32
    %dma_wait3A_536 = tpu.memref_slice %arg3[%add3A, %dma_wait3A_534, %dma_wait3A_535] : memref<64x100x100xi32, #tpu.memory_space<hbm>> -> memref<1x100x100xi32, #tpu.memory_space<hbm>>
    %dma_wait3A_537 = tpu.memref_squeeze %dma_wait3A_536 : memref<1x100x100xi32, #tpu.memory_space<hbm>> -> memref<100x100xi32, #tpu.memory_space<hbm>>
    %dma_wait3A_538 = arith.constant 0 : i32
    %dma_wait3A_539 = tpu.memref_slice %dma_wait3A_537[%dma_wait3A_524, %dma_wait3A_538] : memref<100x100xi32, #tpu.memory_space<hbm>> -> memref<1x100xi32, #tpu.memory_space<hbm>>
    %dma_wait3A_540 = tpu.memref_squeeze %dma_wait3A_539 : memref<1x100xi32, #tpu.memory_space<hbm>> -> memref<100xi32, #tpu.memory_space<hbm>>
    %dma_wait3A_541 = arith.constant 0 : i32
    %dma_wait3A_542 = arith.constant 0 : i32
    %dma_wait3A_543 = tpu.memref_slice %arg6[%dma_wait3A_525, %dma_wait3A_541, %dma_wait3A_542] : memref<3x2x100xi32, #tpu.memory_space<vmem>> -> memref<1x2x100xi32, #tpu.memory_space<vmem>>
    %dma_wait3A_544 = tpu.memref_squeeze %dma_wait3A_543 : memref<1x2x100xi32, #tpu.memory_space<vmem>> -> memref<2x100xi32, #tpu.memory_space<vmem>>
    %dma_wait3A_545 = arith.constant 0 : i32
    %dma_wait3A_546 = tpu.memref_slice %dma_wait3A_544[%dma_wait3A_526, %dma_wait3A_545] : memref<2x100xi32, #tpu.memory_space<vmem>> -> memref<1x100xi32, #tpu.memory_space<vmem>>
    %dma_wait3A_547 = tpu.memref_squeeze %dma_wait3A_546 : memref<1x100xi32, #tpu.memory_space<vmem>> -> memref<100xi32, #tpu.memory_space<vmem>>
    %dma_wait3A_548 = arith.constant 0 : i32
    %dma_wait3A_549 = arith.constant 0 : i32
    %dma_wait3A_550 = tpu.memref_slice %arg3[%add3A, %dma_wait3A_548, %dma_wait3A_549] : memref<64x100x100xi32, #tpu.memory_space<hbm>> -> memref<1x100x100xi32, #tpu.memory_space<hbm>>
    %dma_wait3A_551 = tpu.memref_squeeze %dma_wait3A_550 : memref<1x100x100xi32, #tpu.memory_space<hbm>> -> memref<100x100xi32, #tpu.memory_space<hbm>>
    %dma_wait3A_552 = arith.constant 0 : i32
    %dma_wait3A_553 = tpu.memref_slice %dma_wait3A_551[%dma_wait3A_524, %dma_wait3A_552] : memref<100x100xi32, #tpu.memory_space<hbm>> -> memref<1x100xi32, #tpu.memory_space<hbm>>
    %dma_wait3A_554 = tpu.memref_squeeze %dma_wait3A_553 : memref<1x100xi32, #tpu.memory_space<hbm>> -> memref<100xi32, #tpu.memory_space<hbm>>
    tpu.wait_dma2 semaphore(%arg12 : memref<!tpu.dma_semaphore, #tpu.memory_space<semaphore_mem>>) src(%dma_wait3A_554 : memref<100xi32, #tpu.memory_space<hbm>>) dst(%dma_wait3A_547 : memref<100xi32, #tpu.memory_space<vmem>>)
    %add3A_555 = arith.constant 32 : i32
    %add3A_556 = arith.addi %add3A_555, %add3A : i32
    %dma_wait3A_557 = arith.constant 99 : i32
    %dma_wait3A_558 = arith.constant 0 : i32
    %dma_wait3A_559 = arith.constant 1 : i32
    %dma_wait3A_560 = arith.constant 0 : i32
    %dma_wait3A_561 = arith.constant 0 : i32
    %dma_wait3A_562 = tpu.memref_slice %arg6[%dma_wait3A_558, %dma_wait3A_560, %dma_wait3A_561] : memref<3x2x100xi32, #tpu.memory_space<vmem>> -> memref<1x2x100xi32, #tpu.memory_space<vmem>>
    %dma_wait3A_563 = tpu.memref_squeeze %dma_wait3A_562 : memref<1x2x100xi32, #tpu.memory_space<vmem>> -> memref<2x100xi32, #tpu.memory_space<vmem>>
    %dma_wait3A_564 = arith.constant 0 : i32
    %dma_wait3A_565 = tpu.memref_slice %dma_wait3A_563[%dma_wait3A_559, %dma_wait3A_564] : memref<2x100xi32, #tpu.memory_space<vmem>> -> memref<1x100xi32, #tpu.memory_space<vmem>>
    %dma_wait3A_566 = tpu.memref_squeeze %dma_wait3A_565 : memref<1x100xi32, #tpu.memory_space<vmem>> -> memref<100xi32, #tpu.memory_space<vmem>>
    %dma_wait3A_567 = arith.constant 0 : i32
    %dma_wait3A_568 = arith.constant 0 : i32
    %dma_wait3A_569 = tpu.memref_slice %arg3[%add3A_556, %dma_wait3A_567, %dma_wait3A_568] : memref<64x100x100xi32, #tpu.memory_space<hbm>> -> memref<1x100x100xi32, #tpu.memory_space<hbm>>
    %dma_wait3A_570 = tpu.memref_squeeze %dma_wait3A_569 : memref<1x100x100xi32, #tpu.memory_space<hbm>> -> memref<100x100xi32, #tpu.memory_space<hbm>>
    %dma_wait3A_571 = arith.constant 0 : i32
    %dma_wait3A_572 = tpu.memref_slice %dma_wait3A_570[%dma_wait3A_557, %dma_wait3A_571] : memref<100x100xi32, #tpu.memory_space<hbm>> -> memref<1x100xi32, #tpu.memory_space<hbm>>
    %dma_wait3A_573 = tpu.memref_squeeze %dma_wait3A_572 : memref<1x100xi32, #tpu.memory_space<hbm>> -> memref<100xi32, #tpu.memory_space<hbm>>
    %dma_wait3A_574 = arith.constant 0 : i32
    %dma_wait3A_575 = arith.constant 0 : i32
    %dma_wait3A_576 = tpu.memref_slice %arg6[%dma_wait3A_558, %dma_wait3A_574, %dma_wait3A_575] : memref<3x2x100xi32, #tpu.memory_space<vmem>> -> memref<1x2x100xi32, #tpu.memory_space<vmem>>
    %dma_wait3A_577 = tpu.memref_squeeze %dma_wait3A_576 : memref<1x2x100xi32, #tpu.memory_space<vmem>> -> memref<2x100xi32, #tpu.memory_space<vmem>>
    %dma_wait3A_578 = arith.constant 0 : i32
    %dma_wait3A_579 = tpu.memref_slice %dma_wait3A_577[%dma_wait3A_559, %dma_wait3A_578] : memref<2x100xi32, #tpu.memory_space<vmem>> -> memref<1x100xi32, #tpu.memory_space<vmem>>
    %dma_wait3A_580 = tpu.memref_squeeze %dma_wait3A_579 : memref<1x100xi32, #tpu.memory_space<vmem>> -> memref<100xi32, #tpu.memory_space<vmem>>
    %dma_wait3A_581 = arith.constant 0 : i32
    %dma_wait3A_582 = arith.constant 0 : i32
    %dma_wait3A_583 = tpu.memref_slice %arg3[%add3A_556, %dma_wait3A_581, %dma_wait3A_582] : memref<64x100x100xi32, #tpu.memory_space<hbm>> -> memref<1x100x100xi32, #tpu.memory_space<hbm>>
    %dma_wait3A_584 = tpu.memref_squeeze %dma_wait3A_583 : memref<1x100x100xi32, #tpu.memory_space<hbm>> -> memref<100x100xi32, #tpu.memory_space<hbm>>
    %dma_wait3A_585 = arith.constant 0 : i32
    %dma_wait3A_586 = tpu.memref_slice %dma_wait3A_584[%dma_wait3A_557, %dma_wait3A_585] : memref<100x100xi32, #tpu.memory_space<hbm>> -> memref<1x100xi32, #tpu.memory_space<hbm>>
    %dma_wait3A_587 = tpu.memref_squeeze %dma_wait3A_586 : memref<1x100xi32, #tpu.memory_space<hbm>> -> memref<100xi32, #tpu.memory_space<hbm>>
    tpu.wait_dma2 semaphore(%arg12 : memref<!tpu.dma_semaphore, #tpu.memory_space<semaphore_mem>>) src(%dma_wait3A_587 : memref<100xi32, #tpu.memory_space<hbm>>) dst(%dma_wait3A_580 : memref<100xi32, #tpu.memory_space<vmem>>)
    %dma_start3A_588 = arith.constant 0 : i32
    %dma_start3A_589 = arith.constant 0 : i32
    %dma_start3A_590 = arith.constant 0 : i32
    %dma_start3A_591 = arith.constant 0 : i32
    %dma_start3A_592 = tpu.memref_slice %arg7[%dma_start3A_590, %dma_start3A_591] : memref<300x128xf32, #tpu.memory_space<vmem>> -> memref<100x128xf32, #tpu.memory_space<vmem>>
    %dma_start3A_593 = arith.constant 0 : i32
    %dma_start3A_594 = arith.constant 0 : i32
    %dma_start3A_595 = tpu.memref_slice %arg6[%dma_start3A_588, %dma_start3A_593, %dma_start3A_594] : memref<3x2x100xi32, #tpu.memory_space<vmem>> -> memref<1x2x100xi32, #tpu.memory_space<vmem>>
    %dma_start3A_596 = tpu.memref_squeeze %dma_start3A_595 : memref<1x2x100xi32, #tpu.memory_space<vmem>> -> memref<2x100xi32, #tpu.memory_space<vmem>>
    %dma_start3A_597 = arith.constant 0 : i32
    %dma_start3A_598 = tpu.memref_slice %dma_start3A_596[%dma_start3A_589, %dma_start3A_597] : memref<2x100xi32, #tpu.memory_space<vmem>> -> memref<1x100xi32, #tpu.memory_space<vmem>>
    %dma_start3A_599 = tpu.memref_squeeze %dma_start3A_598 : memref<1x100xi32, #tpu.memory_space<vmem>> -> memref<100xi32, #tpu.memory_space<vmem>>
    %dma_start3A_600 = arith.constant 0 : i32
    %dma_start3A_601 = arith.constant 0 : i32
    %dma_start3A_602 = tpu.memref_slice %arg2[%dma_start3A_600, %dma_start3A_601] : memref<10000x128xf32, #tpu.memory_space<hbm>> -> memref<10000x128xf32, #tpu.memory_space<hbm>>
    tpu.enqueue_indirect_dma source(%dma_start3A_602 : memref<10000x128xf32, #tpu.memory_space<hbm>>) target(%dma_start3A_592 : memref<100x128xf32, #tpu.memory_space<vmem>>) offsets(%dma_start3A_599 : memref<100xi32, #tpu.memory_space<vmem>>) semaphore(%arg9 : memref<!tpu.dma_semaphore, #tpu.memory_space<semaphore_mem>>)
    %dma_wait3A_603 = arith.constant 1 : i32
    %dma_wait3A_604 = arith.constant 0 : i32
    %dma_wait3A_605 = arith.constant 100 : i32
    %dma_wait3A_606 = arith.constant 0 : i32
    %dma_wait3A_607 = tpu.memref_slice %arg7[%dma_wait3A_605, %dma_wait3A_606] : memref<300x128xf32, #tpu.memory_space<vmem>> -> memref<100x128xf32, #tpu.memory_space<vmem>>
    %dma_wait3A_608 = arith.constant 0 : i32
    %dma_wait3A_609 = arith.constant 0 : i32
    %dma_wait3A_610 = tpu.memref_slice %arg6[%dma_wait3A_603, %dma_wait3A_608, %dma_wait3A_609] : memref<3x2x100xi32, #tpu.memory_space<vmem>> -> memref<1x2x100xi32, #tpu.memory_space<vmem>>
    %dma_wait3A_611 = tpu.memref_squeeze %dma_wait3A_610 : memref<1x2x100xi32, #tpu.memory_space<vmem>> -> memref<2x100xi32, #tpu.memory_space<vmem>>
    %dma_wait3A_612 = arith.constant 0 : i32
    %dma_wait3A_613 = tpu.memref_slice %dma_wait3A_611[%dma_wait3A_604, %dma_wait3A_612] : memref<2x100xi32, #tpu.memory_space<vmem>> -> memref<1x100xi32, #tpu.memory_space<vmem>>
    %dma_wait3A_614 = tpu.memref_squeeze %dma_wait3A_613 : memref<1x100xi32, #tpu.memory_space<vmem>> -> memref<100xi32, #tpu.memory_space<vmem>>
    %dma_wait3A_615 = arith.constant 0 : i32
    %dma_wait3A_616 = arith.constant 0 : i32
    %dma_wait3A_617 = tpu.memref_slice %arg2[%dma_wait3A_615, %dma_wait3A_616] : memref<10000x128xf32, #tpu.memory_space<hbm>> -> memref<10000x128xf32, #tpu.memory_space<hbm>>
    tpu.wait_indirect_dma semaphore(%arg10 : memref<!tpu.dma_semaphore, #tpu.memory_space<semaphore_mem>>) src(%dma_wait3A_617 : memref<10000x128xf32, #tpu.memory_space<hbm>>) dst(%dma_wait3A_607 : memref<100x128xf32, #tpu.memory_space<vmem>>)
    %run_scoped3A_618 = arith.constant 1 : i32
    %run_scoped3A_619 = arith.constant 1 : i32
    "tpu.region"() ({
      %run_scoped3A_662 = tpu.sem_alloc : memref<!tpu.dma_semaphore, #tpu.memory_space<semaphore_mem>>
      %dma_start3A_663 = arith.constant 100 : i32
      %dma_start3A_664 = arith.constant 0 : i32
      %dma_start3A_665 = tpu.memref_slice %arg7[%dma_start3A_663, %dma_start3A_664] : memref<300x128xf32, #tpu.memory_space<vmem>> -> memref<100x128xf32, #tpu.memory_space<vmem>>
      %dma_start3A_666 = arith.constant 0 : i32
      %dma_start3A_667 = arith.constant 0 : i32
      %dma_start3A_668 = tpu.memref_slice %arg6[%run_scoped3A_618, %dma_start3A_666, %dma_start3A_667] : memref<3x2x100xi32, #tpu.memory_space<vmem>> -> memref<1x2x100xi32, #tpu.memory_space<vmem>>
      %dma_start3A_669 = tpu.memref_squeeze %dma_start3A_668 : memref<1x2x100xi32, #tpu.memory_space<vmem>> -> memref<2x100xi32, #tpu.memory_space<vmem>>
      %dma_start3A_670 = arith.constant 0 : i32
      %dma_start3A_671 = tpu.memref_slice %dma_start3A_669[%run_scoped3A_619, %dma_start3A_670] : memref<2x100xi32, #tpu.memory_space<vmem>> -> memref<1x100xi32, #tpu.memory_space<vmem>>
      %dma_start3A_672 = tpu.memref_squeeze %dma_start3A_671 : memref<1x100xi32, #tpu.memory_space<vmem>> -> memref<100xi32, #tpu.memory_space<vmem>>
      %dma_start3A_673 = arith.constant 0 : i32
      %dma_start3A_674 = arith.constant 0 : i32
      %dma_start3A_675 = tpu.memref_slice %arg8[%dma_start3A_673, %dma_start3A_674] : memref<10240x128xf32, #tpu.memory_space<vmem_shared>> -> memref<10240x128xf32, #tpu.memory_space<vmem_shared>>
      tpu.enqueue_indirect_dma source(%dma_start3A_665 : memref<100x128xf32, #tpu.memory_space<vmem>>) target(%dma_start3A_675 : memref<10240x128xf32, #tpu.memory_space<vmem_shared>>) offsets(%dma_start3A_672 : memref<100xi32, #tpu.memory_space<vmem>>) semaphore(%run_scoped3A_662 : memref<!tpu.dma_semaphore, #tpu.memory_space<semaphore_mem>>) {add = true}
      %dma_wait3A_676 = arith.constant 100 : i32
      %dma_wait3A_677 = arith.constant 0 : i32
      %dma_wait3A_678 = tpu.memref_slice %arg7[%dma_wait3A_676, %dma_wait3A_677] : memref<300x128xf32, #tpu.memory_space<vmem>> -> memref<100x128xf32, #tpu.memory_space<vmem>>
      %dma_wait3A_679 = arith.constant 0 : i32
      %dma_wait3A_680 = arith.constant 0 : i32
      %dma_wait3A_681 = tpu.memref_slice %arg6[%run_scoped3A_618, %dma_wait3A_679, %dma_wait3A_680] : memref<3x2x100xi32, #tpu.memory_space<vmem>> -> memref<1x2x100xi32, #tpu.memory_space<vmem>>
      %dma_wait3A_682 = tpu.memref_squeeze %dma_wait3A_681 : memref<1x2x100xi32, #tpu.memory_space<vmem>> -> memref<2x100xi32, #tpu.memory_space<vmem>>
      %dma_wait3A_683 = arith.constant 0 : i32
      %dma_wait3A_684 = tpu.memref_slice %dma_wait3A_682[%run_scoped3A_619, %dma_wait3A_683] : memref<2x100xi32, #tpu.memory_space<vmem>> -> memref<1x100xi32, #tpu.memory_space<vmem>>
      %dma_wait3A_685 = tpu.memref_squeeze %dma_wait3A_684 : memref<1x100xi32, #tpu.memory_space<vmem>> -> memref<100xi32, #tpu.memory_space<vmem>>
      %dma_wait3A_686 = arith.constant 0 : i32
      %dma_wait3A_687 = arith.constant 0 : i32
      %dma_wait3A_688 = tpu.memref_slice %arg8[%dma_wait3A_686, %dma_wait3A_687] : memref<10240x128xf32, #tpu.memory_space<vmem_shared>> -> memref<10240x128xf32, #tpu.memory_space<vmem_shared>>
      tpu.wait_indirect_dma semaphore(%run_scoped3A_662 : memref<!tpu.dma_semaphore, #tpu.memory_space<semaphore_mem>>) src(%dma_wait3A_678 : memref<100x128xf32, #tpu.memory_space<vmem>>) dst(%dma_wait3A_688 : memref<10240x128xf32, #tpu.memory_space<vmem_shared>>)
      tpu.yield
    }) : () -> ()
    %dma_wait3A_620 = arith.constant 2 : i32
    %dma_wait3A_621 = arith.constant 0 : i32
    %dma_wait3A_622 = arith.constant 200 : i32
    %dma_wait3A_623 = arith.constant 0 : i32
    %dma_wait3A_624 = tpu.memref_slice %arg7[%dma_wait3A_622, %dma_wait3A_623] : memref<300x128xf32, #tpu.memory_space<vmem>> -> memref<100x128xf32, #tpu.memory_space<vmem>>
    %dma_wait3A_625 = arith.constant 0 : i32
    %dma_wait3A_626 = arith.constant 0 : i32
    %dma_wait3A_627 = tpu.memref_slice %arg6[%dma_wait3A_620, %dma_wait3A_625, %dma_wait3A_626] : memref<3x2x100xi32, #tpu.memory_space<vmem>> -> memref<1x2x100xi32, #tpu.memory_space<vmem>>
    %dma_wait3A_628 = tpu.memref_squeeze %dma_wait3A_627 : memref<1x2x100xi32, #tpu.memory_space<vmem>> -> memref<2x100xi32, #tpu.memory_space<vmem>>
    %dma_wait3A_629 = arith.constant 0 : i32
    %dma_wait3A_630 = tpu.memref_slice %dma_wait3A_628[%dma_wait3A_621, %dma_wait3A_629] : memref<2x100xi32, #tpu.memory_space<vmem>> -> memref<1x100xi32, #tpu.memory_space<vmem>>
    %dma_wait3A_631 = tpu.memref_squeeze %dma_wait3A_630 : memref<1x100xi32, #tpu.memory_space<vmem>> -> memref<100xi32, #tpu.memory_space<vmem>>
    %dma_wait3A_632 = arith.constant 0 : i32
    %dma_wait3A_633 = arith.constant 0 : i32
    %dma_wait3A_634 = tpu.memref_slice %arg2[%dma_wait3A_632, %dma_wait3A_633] : memref<10000x128xf32, #tpu.memory_space<hbm>> -> memref<10000x128xf32, #tpu.memory_space<hbm>>
    tpu.wait_indirect_dma semaphore(%arg11 : memref<!tpu.dma_semaphore, #tpu.memory_space<semaphore_mem>>) src(%dma_wait3A_634 : memref<10000x128xf32, #tpu.memory_space<hbm>>) dst(%dma_wait3A_624 : memref<100x128xf32, #tpu.memory_space<vmem>>)
    %run_scoped3A_635 = arith.constant 2 : i32
    %run_scoped3A_636 = arith.constant 1 : i32
    "tpu.region"() ({
      %run_scoped3A_662 = tpu.sem_alloc : memref<!tpu.dma_semaphore, #tpu.memory_space<semaphore_mem>>
      %dma_start3A_663 = arith.constant 200 : i32
      %dma_start3A_664 = arith.constant 0 : i32
      %dma_start3A_665 = tpu.memref_slice %arg7[%dma_start3A_663, %dma_start3A_664] : memref<300x128xf32, #tpu.memory_space<vmem>> -> memref<100x128xf32, #tpu.memory_space<vmem>>
      %dma_start3A_666 = arith.constant 0 : i32
      %dma_start3A_667 = arith.constant 0 : i32
      %dma_start3A_668 = tpu.memref_slice %arg6[%run_scoped3A_635, %dma_start3A_666, %dma_start3A_667] : memref<3x2x100xi32, #tpu.memory_space<vmem>> -> memref<1x2x100xi32, #tpu.memory_space<vmem>>
      %dma_start3A_669 = tpu.memref_squeeze %dma_start3A_668 : memref<1x2x100xi32, #tpu.memory_space<vmem>> -> memref<2x100xi32, #tpu.memory_space<vmem>>
      %dma_start3A_670 = arith.constant 0 : i32
      %dma_start3A_671 = tpu.memref_slice %dma_start3A_669[%run_scoped3A_636, %dma_start3A_670] : memref<2x100xi32, #tpu.memory_space<vmem>> -> memref<1x100xi32, #tpu.memory_space<vmem>>
      %dma_start3A_672 = tpu.memref_squeeze %dma_start3A_671 : memref<1x100xi32, #tpu.memory_space<vmem>> -> memref<100xi32, #tpu.memory_space<vmem>>
      %dma_start3A_673 = arith.constant 0 : i32
      %dma_start3A_674 = arith.constant 0 : i32
      %dma_start3A_675 = tpu.memref_slice %arg8[%dma_start3A_673, %dma_start3A_674] : memref<10240x128xf32, #tpu.memory_space<vmem_shared>> -> memref<10240x128xf32, #tpu.memory_space<vmem_shared>>
      tpu.enqueue_indirect_dma source(%dma_start3A_665 : memref<100x128xf32, #tpu.memory_space<vmem>>) target(%dma_start3A_675 : memref<10240x128xf32, #tpu.memory_space<vmem_shared>>) offsets(%dma_start3A_672 : memref<100xi32, #tpu.memory_space<vmem>>) semaphore(%run_scoped3A_662 : memref<!tpu.dma_semaphore, #tpu.memory_space<semaphore_mem>>) {add = true}
      %dma_wait3A_676 = arith.constant 200 : i32
      %dma_wait3A_677 = arith.constant 0 : i32
      %dma_wait3A_678 = tpu.memref_slice %arg7[%dma_wait3A_676, %dma_wait3A_677] : memref<300x128xf32, #tpu.memory_space<vmem>> -> memref<100x128xf32, #tpu.memory_space<vmem>>
      %dma_wait3A_679 = arith.constant 0 : i32
      %dma_wait3A_680 = arith.constant 0 : i32
      %dma_wait3A_681 = tpu.memref_slice %arg6[%run_scoped3A_635, %dma_wait3A_679, %dma_wait3A_680] : memref<3x2x100xi32, #tpu.memory_space<vmem>> -> memref<1x2x100xi32, #tpu.memory_space<vmem>>
      %dma_wait3A_682 = tpu.memref_squeeze %dma_wait3A_681 : memref<1x2x100xi32, #tpu.memory_space<vmem>> -> memref<2x100xi32, #tpu.memory_space<vmem>>
      %dma_wait3A_683 = arith.constant 0 : i32
      %dma_wait3A_684 = tpu.memref_slice %dma_wait3A_682[%run_scoped3A_636, %dma_wait3A_683] : memref<2x100xi32, #tpu.memory_space<vmem>> -> memref<1x100xi32, #tpu.memory_space<vmem>>
      %dma_wait3A_685 = tpu.memref_squeeze %dma_wait3A_684 : memref<1x100xi32, #tpu.memory_space<vmem>> -> memref<100xi32, #tpu.memory_space<vmem>>
      %dma_wait3A_686 = arith.constant 0 : i32
      %dma_wait3A_687 = arith.constant 0 : i32
      %dma_wait3A_688 = tpu.memref_slice %arg8[%dma_wait3A_686, %dma_wait3A_687] : memref<10240x128xf32, #tpu.memory_space<vmem_shared>> -> memref<10240x128xf32, #tpu.memory_space<vmem_shared>>
      tpu.wait_indirect_dma semaphore(%run_scoped3A_662 : memref<!tpu.dma_semaphore, #tpu.memory_space<semaphore_mem>>) src(%dma_wait3A_678 : memref<100x128xf32, #tpu.memory_space<vmem>>) dst(%dma_wait3A_688 : memref<10240x128xf32, #tpu.memory_space<vmem_shared>>)
      tpu.yield
    }) : () -> ()
    %dma_wait3A_637 = arith.constant 0 : i32
    %dma_wait3A_638 = arith.constant 0 : i32
    %dma_wait3A_639 = arith.constant 0 : i32
    %dma_wait3A_640 = arith.constant 0 : i32
    %dma_wait3A_641 = tpu.memref_slice %arg7[%dma_wait3A_639, %dma_wait3A_640] : memref<300x128xf32, #tpu.memory_space<vmem>> -> memref<100x128xf32, #tpu.memory_space<vmem>>
    %dma_wait3A_642 = arith.constant 0 : i32
    %dma_wait3A_643 = arith.constant 0 : i32
    %dma_wait3A_644 = tpu.memref_slice %arg6[%dma_wait3A_637, %dma_wait3A_642, %dma_wait3A_643] : memref<3x2x100xi32, #tpu.memory_space<vmem>> -> memref<1x2x100xi32, #tpu.memory_space<vmem>>
    %dma_wait3A_645 = tpu.memref_squeeze %dma_wait3A_644 : memref<1x2x100xi32, #tpu.memory_space<vmem>> -> memref<2x100xi32, #tpu.memory_space<vmem>>
    %dma_wait3A_646 = arith.constant 0 : i32
    %dma_wait3A_647 = tpu.memref_slice %dma_wait3A_645[%dma_wait3A_638, %dma_wait3A_646] : memref<2x100xi32, #tpu.memory_space<vmem>> -> memref<1x100xi32, #tpu.memory_space<vmem>>
    %dma_wait3A_648 = tpu.memref_squeeze %dma_wait3A_647 : memref<1x100xi32, #tpu.memory_space<vmem>> -> memref<100xi32, #tpu.memory_space<vmem>>
    %dma_wait3A_649 = arith.constant 0 : i32
    %dma_wait3A_650 = arith.constant 0 : i32
    %dma_wait3A_651 = tpu.memref_slice %arg2[%dma_wait3A_649, %dma_wait3A_650] : memref<10000x128xf32, #tpu.memory_space<hbm>> -> memref<10000x128xf32, #tpu.memory_space<hbm>>
    tpu.wait_indirect_dma semaphore(%arg9 : memref<!tpu.dma_semaphore, #tpu.memory_space<semaphore_mem>>) src(%dma_wait3A_651 : memref<10000x128xf32, #tpu.memory_space<hbm>>) dst(%dma_wait3A_641 : memref<100x128xf32, #tpu.memory_space<vmem>>)
    %run_scoped3A_652 = arith.constant 0 : i32
    %run_scoped3A_653 = arith.constant 1 : i32
    "tpu.region"() ({
      %run_scoped3A_662 = tpu.sem_alloc : memref<!tpu.dma_semaphore, #tpu.memory_space<semaphore_mem>>
      %dma_start3A_663 = arith.constant 0 : i32
      %dma_start3A_664 = arith.constant 0 : i32
      %dma_start3A_665 = tpu.memref_slice %arg7[%dma_start3A_663, %dma_start3A_664] : memref<300x128xf32, #tpu.memory_space<vmem>> -> memref<100x128xf32, #tpu.memory_space<vmem>>
      %dma_start3A_666 = arith.constant 0 : i32
      %dma_start3A_667 = arith.constant 0 : i32
      %dma_start3A_668 = tpu.memref_slice %arg6[%run_scoped3A_652, %dma_start3A_666, %dma_start3A_667] : memref<3x2x100xi32, #tpu.memory_space<vmem>> -> memref<1x2x100xi32, #tpu.memory_space<vmem>>
      %dma_start3A_669 = tpu.memref_squeeze %dma_start3A_668 : memref<1x2x100xi32, #tpu.memory_space<vmem>> -> memref<2x100xi32, #tpu.memory_space<vmem>>
      %dma_start3A_670 = arith.constant 0 : i32
      %dma_start3A_671 = tpu.memref_slice %dma_start3A_669[%run_scoped3A_653, %dma_start3A_670] : memref<2x100xi32, #tpu.memory_space<vmem>> -> memref<1x100xi32, #tpu.memory_space<vmem>>
      %dma_start3A_672 = tpu.memref_squeeze %dma_start3A_671 : memref<1x100xi32, #tpu.memory_space<vmem>> -> memref<100xi32, #tpu.memory_space<vmem>>
      %dma_start3A_673 = arith.constant 0 : i32
      %dma_start3A_674 = arith.constant 0 : i32
      %dma_start3A_675 = tpu.memref_slice %arg8[%dma_start3A_673, %dma_start3A_674] : memref<10240x128xf32, #tpu.memory_space<vmem_shared>> -> memref<10240x128xf32, #tpu.memory_space<vmem_shared>>
      tpu.enqueue_indirect_dma source(%dma_start3A_665 : memref<100x128xf32, #tpu.memory_space<vmem>>) target(%dma_start3A_675 : memref<10240x128xf32, #tpu.memory_space<vmem_shared>>) offsets(%dma_start3A_672 : memref<100xi32, #tpu.memory_space<vmem>>) semaphore(%run_scoped3A_662 : memref<!tpu.dma_semaphore, #tpu.memory_space<semaphore_mem>>) {add = true}
      %dma_wait3A_676 = arith.constant 0 : i32
      %dma_wait3A_677 = arith.constant 0 : i32
      %dma_wait3A_678 = tpu.memref_slice %arg7[%dma_wait3A_676, %dma_wait3A_677] : memref<300x128xf32, #tpu.memory_space<vmem>> -> memref<100x128xf32, #tpu.memory_space<vmem>>
      %dma_wait3A_679 = arith.constant 0 : i32
      %dma_wait3A_680 = arith.constant 0 : i32
      %dma_wait3A_681 = tpu.memref_slice %arg6[%run_scoped3A_652, %dma_wait3A_679, %dma_wait3A_680] : memref<3x2x100xi32, #tpu.memory_space<vmem>> -> memref<1x2x100xi32, #tpu.memory_space<vmem>>
      %dma_wait3A_682 = tpu.memref_squeeze %dma_wait3A_681 : memref<1x2x100xi32, #tpu.memory_space<vmem>> -> memref<2x100xi32, #tpu.memory_space<vmem>>
      %dma_wait3A_683 = arith.constant 0 : i32
      %dma_wait3A_684 = tpu.memref_slice %dma_wait3A_682[%run_scoped3A_653, %dma_wait3A_683] : memref<2x100xi32, #tpu.memory_space<vmem>> -> memref<1x100xi32, #tpu.memory_space<vmem>>
      %dma_wait3A_685 = tpu.memref_squeeze %dma_wait3A_684 : memref<1x100xi32, #tpu.memory_space<vmem>> -> memref<100xi32, #tpu.memory_space<vmem>>
      %dma_wait3A_686 = arith.constant 0 : i32
      %dma_wait3A_687 = arith.constant 0 : i32
      %dma_wait3A_688 = tpu.memref_slice %arg8[%dma_wait3A_686, %dma_wait3A_687] : memref<10240x128xf32, #tpu.memory_space<vmem_shared>> -> memref<10240x128xf32, #tpu.memory_space<vmem_shared>>
      tpu.wait_indirect_dma semaphore(%run_scoped3A_662 : memref<!tpu.dma_semaphore, #tpu.memory_space<semaphore_mem>>) src(%dma_wait3A_678 : memref<100x128xf32, #tpu.memory_space<vmem>>) dst(%dma_wait3A_688 : memref<10240x128xf32, #tpu.memory_space<vmem_shared>>)
      tpu.yield
    }) : () -> ()
    %barrier3A_654 = arith.constant 0 : index
    tpu.barrier barrier_id(%barrier3A_654)
    %mul3A_655 = arith.constant 640 : i32
    %mul3A_656 = arith.muli %arg1, %mul3A_655 : i32
    %mul3A_657 = arith.constant 10240 : i32
    %mul3A_658 = arith.muli %arg0, %mul3A_657 : i32
    %mul3A_659 = arith.constant 640 : i32
    %mul3A_660 = arith.muli %arg1, %mul3A_659 : i32
    %add3A_661 = arith.addi %mul3A_658, %mul3A_660 : i32
    "tpu.region"() ({
      %run_scoped3A_662 = tpu.sem_alloc : memref<!tpu.dma_semaphore, #tpu.memory_space<semaphore_mem>>
      %dma_start3A_663 = arith.constant 0 : i32
      %dma_start3A_664 = tpu.memref_slice %arg5[%add3A_661, %dma_start3A_663] : memref<20480x128xf32, #tpu.memory_space<hbm>> -> memref<640x128xf32, #tpu.memory_space<hbm>>
      %dma_start3A_665 = arith.constant 0 : i32
      %dma_start3A_666 = tpu.memref_slice %arg8[%mul3A_656, %dma_start3A_665] : memref<10240x128xf32, #tpu.memory_space<vmem_shared>> -> memref<640x128xf32, #tpu.memory_space<vmem_shared>>
      tpu.enqueue_dma source(%dma_start3A_666 : memref<640x128xf32, #tpu.memory_space<vmem_shared>>) target(%dma_start3A_664 : memref<640x128xf32, #tpu.memory_space<hbm>>) target_semaphore(%run_scoped3A_662 : memref<!tpu.dma_semaphore, #tpu.memory_space<semaphore_mem>>)
      %dma_wait3A_667 = arith.constant 0 : i32
      %dma_wait3A_668 = tpu.memref_slice %arg5[%add3A_661, %dma_wait3A_667] : memref<20480x128xf32, #tpu.memory_space<hbm>> -> memref<640x128xf32, #tpu.memory_space<hbm>>
      %dma_wait3A_669 = arith.constant 0 : i32
      %dma_wait3A_670 = tpu.memref_slice %arg8[%mul3A_656, %dma_wait3A_669] : memref<10240x128xf32, #tpu.memory_space<vmem_shared>> -> memref<640x128xf32, #tpu.memory_space<vmem_shared>>
      tpu.wait_dma2 semaphore(%run_scoped3A_662 : memref<!tpu.dma_semaphore, #tpu.memory_space<semaphore_mem>>) src(%dma_wait3A_670 : memref<640x128xf32, #tpu.memory_space<vmem_shared>>) dst(%dma_wait3A_668 : memref<640x128xf32, #tpu.memory_space<hbm>>)
      tpu.yield
    }) : () -> ()
    return
  }
}

</mosaic_0001>

<sc_bundles>
// kernel: _sc_agg.3.cloned.1.call-start
scs
__scs_entry_jumppad:
0x0: {  	(pc) =	sbr.rel $0x88, $3  }
0x1: {  	(tag) =	ssettag $0x0;
	lr =	simm.s32 $0x1  }
0x2: {  	[smem:$0x3F9E] =	sst lr;
	_ =	strace $0xD0000000  }
0x3: {  	_ = 	snop  }
0x4: {  	_ = 	snop  }
0x5: {  	_ = 	snop  }
0x6: {  	_ = 	snop  }
0x7: {  	_ = 	snop  }
__scs_overlays_trampoline_lowered:
0x8: {  	[smem:$0x3FAD] =	sst s0  }
0x9: {  	[smem:$0x3FAE] =	sst s1  }
0xa: {  	[smem:$0x3FAF] =	sst s2  }
0xb: {  	[smem:$0x3FB0] =	sst s3  }
0xc: {  	[smem:$0x3FB1] =	sst s4  }
0xd: {  	[smem:$0x3FB2] =	sst s5  }
0xe: {  	[smem:$0x3FB3] =	sst s6  }
0xf: {  	[smem:$0x3FB4] =	sst s7  }
0x10: {  	[smem:$0x3FB5] =	sst s8  }
0x11: {  	[smem:$0x3FB6] =	sst s9;
	s0 =	simm.s32 @!p0 $0x0  }
0x12: {  	s1 =	sld [smem:$0x3F9C];
	s0 =	simm.s32 @p0 $0x1  }
0x13: {  	[smem:$0x3FB7] =	sst s0;
	s0 =	simm.s32 @!p1 $0x0  }
0x14: {  	s2 =	sld [smem:$0x3F9B];
	s0 =	simm.s32 @p1 $0x1  }
0x15: {  	[smem:$0x3FB8] =	sst s0;
	s0 =	simm.s32 @!p2 $0x0  }
0x16: {  	s3 =	sld [smem:$0x3FDB];
	s0 =	simm.s32 @p2 $0x1  }
0x17: {  	s4 =	simm.s32 $0x1BF5;
	[smem:$0x3FBA] =	sst s0  }
0x18: {  	s0 =	sld [smem:$0x3F9D];
	_ =	swait.ge [sflag:s4], $0x0  }
0x19: {  	s7 =	sld [smem:$0x3F9E]  }
0x1a: {  	s8 =	sadd.s32 $0xFFFFE003, lr  }
0x1b: {  	s9 =	sadd.s32 $0xFFFFFEF7, lr;
	s5 =	simm.s32 $0xFFFFFFFF;
	p2 =	slt.u32 s8, $0xFFFFF086  }
0x1c: {  	p1 =	slt.u32 s9, $0xF7A;
	s5 =	simm.s32 @!p2 $0x0  }
0x1d: {  	s5 =	simm.s32 @p1 $0x1;
	p0 =	seq.s32 s7, s2  }
0x1e: {  	s7 =	smul.u32 @!p0 $0xF7A, s2;
	p2 =	seq.s32 @!p0 s5, $0x0  }
0x1f: {  	s9 =	smul.u32 $0xF7A, s1;
	s8 =	simm.s32 @!p0 $0x1BF5;
	p2 =	por !p2, p0  }
0x20: {  	[sflag:s8] =	ssyncset.s32 @!p0 $0xFFFFF086;
	s6 =	sadd.s32 @!p0 s3, s7;
	s7 =	simm.s32 @!p0 $0x108  }
0x21: {  	s3 =	sadd.s32 s3, s9;
	s6 =	sadd.s32 @!p0 $0x88, s6;
	s7 =	simm.s32 @p2 $0x1082  }
0x22: {  	[simem:s7], [sflag:s8] =	dma.local @!p0 [hbm:s6], $0xF7A  }
0x23: {  	s9 =	sor.u32 $0xD0000000, s2;
	s6 =	simm.s32 $0x108;
	_ =	swait.ge @!p0 [sflag:s8], $0x0  }
0x24: {  	s3 =	sadd.s32 $0x88, s3;
	s6 =	simm.s32 @!p1 $0x1082;
	[sflag:s4] =	ssyncset.s32 $0xFFFFF086  }
0x25: {  	[simem:s6], [sflag:s4] =	dma.local [hbm:s3], $0xF7A  }
0x26: {  	[smem:$0x3F9E] =	sst s1;
	(tag) =	ssettag s2;
	_ =	strace s9  }
0x27: {  	s1 =	sld [smem:$0x3FAE]  }
0x28: {  	s2 =	sld [smem:$0x3FAF]  }
0x29: {  	s4 =	sld [smem:$0x3FB1]  }
0x2a: {  	p0 =	seq.s32 s5, $0x0;
	s5 =	sld [smem:$0x3FB2]  }
0x2b: {  	s6 =	sld [smem:$0x3FB3]  }
0x2c: {  	s7 =	sld [smem:$0x3FB4]  }
0x2d: {  	s3 =	simm.s32 $0x108;
	s8 =	sld [smem:$0x3FB5]  }
0x2e: {  	s3 =	simm.s32 @!p0 $0x1082;
	s9 =	sld [smem:$0x3FB6]  }
0x2f: {  	lr =	sadd.s32 s0, s3;
	s0 =	sld [smem:$0x3FAD]  }
0x30: {  	s3 =	sld [smem:$0x3FB0]  }
0x31: {  	[smem:$0x3FB9] =	sst s10  }
0x32: {  	s10 =	sld [smem:$0x3FB7];
	_ =	sdelay $0x3  }
0x33: {  	p0 =	seq.s32 s10, $0x1;
	s10 =	sld [smem:$0x3FB9];
	_ =	sdelay $0x3  }
0x34: {  	[smem:$0x3FB9] =	sst s10  }
0x35: {  	s10 =	sld [smem:$0x3FB8];
	_ =	sdelay $0x3  }
0x36: {  	p1 =	seq.s32 s10, $0x1;
	s10 =	sld [smem:$0x3FB9];
	_ =	sdelay $0x3  }
0x37: {  	[smem:$0x3FB9] =	sst s10  }
0x38: {  	s10 =	sld [smem:$0x3FBA]  }
0x39: {  	_ = 	snop;
	(pc) =	sbr.ind lr, $3  }
0x3a: {  	_ = 	snop  }
0x3b: {  	_ = 	snop  }
0x3c: {  	p2 =	seq.s32 s10, $0x1;
	s10 =	sld [smem:$0x3FB9]  }
0x3d: {  	_ =	shalt  }
0x3e: {  	_ =	shalt  }
0x3f: {  	_ =	shalt  }
0x40: {  	_ =	shalt  }
0x41: {  	_ =	shalt  }
0x42: {  	_ =	shalt  }
0x43: {  	_ =	shalt  }
0x44: {  	_ =	shalt  }
0x45: {  	_ =	shalt  }
0x46: {  	_ =	shalt  }
0x47: {  	_ =	shalt  }
0x48: {  	_ =	shalt  }
0x49: {  	_ =	shalt  }
0x4a: {  	_ =	shalt  }
0x4b: {  	_ =	shalt  }
0x4c: {  	_ =	shalt  }
0x4d: {  	_ =	shalt  }
0x4e: {  	_ =	shalt  }
0x4f: {  	_ =	shalt  }
0x50: {  	_ =	shalt  }
0x51: {  	_ =	shalt  }
0x52: {  	_ =	shalt  }
0x53: {  	_ =	shalt  }
0x54: {  	_ =	shalt  }
0x55: {  	_ =	shalt  }
0x56: {  	_ =	shalt  }
0x57: {  	_ =	shalt  }
0x58: {  	_ =	shalt  }
0x59: {  	_ =	shalt  }
0x5a: {  	_ =	shalt  }
0x5b: {  	_ =	shalt  }
0x5c: {  	_ =	shalt  }
0x5d: {  	_ =	shalt  }
0x5e: {  	_ =	shalt  }
0x5f: {  	_ =	shalt  }
0x60: {  	_ =	shalt  }
0x61: {  	_ =	shalt  }
0x62: {  	_ =	shalt  }
0x63: {  	_ =	shalt  }
0x64: {  	_ =	shalt  }
0x65: {  	_ =	shalt  }
0x66: {  	_ =	shalt  }
0x67: {  	_ =	shalt  }
0x68: {  	_ =	shalt  }
0x69: {  	_ =	shalt  }
0x6a: {  	_ =	shalt  }
0x6b: {  	_ =	shalt  }
0x6c: {  	_ =	shalt  }
0x6d: {  	_ =	shalt  }
0x6e: {  	_ =	shalt  }
0x6f: {  	_ =	shalt  }
0x70: {  	_ =	shalt  }
0x71: {  	_ =	shalt  }
0x72: {  	_ =	shalt  }
0x73: {  	_ =	shalt  }
0x74: {  	_ =	shalt  }
0x75: {  	_ =	shalt  }
0x76: {  	_ =	shalt  }
0x77: {  	_ =	shalt  }
0x78: {  	_ =	shalt  }
0x79: {  	_ =	shalt  }
0x7a: {  	_ =	shalt  }
0x7b: {  	_ =	shalt  }
0x7c: {  	_ =	shalt  }
0x7d: {  	_ =	shalt  }
0x7e: {  	_ =	shalt  }
0x7f: {  	_ =	shalt  }
0x80: {  	_ =	shalt  }
0x81: {  	_ =	shalt  }
0x82: {  	_ =	shalt  }
0x83: {  	_ =	shalt  }
0x84: {  	_ =	shalt  }
0x85: {  	_ =	shalt  }
0x86: {  	_ =	shalt  }
0x87: {  	_ =	shalt  }
.Lfunc_end0:
.L_simem_size_0:
called_computation_lowered:
.L_overlay_start_0:
0x88: {  	s2 =	sld [smem:$0x3FD9]  }
0x89: {  	s3 =	sld [smem:$0x3FFE];
	_ =	sdelay $0x1  }
0x8a: {  	s1 =	srdreg.scid  }
0x8b: {  	s0 =	sand.u32 $0x1, s1  }
0x8c: {  	s17 =	sshll.u32 s0, $0xA;
	s2 =	sadd.s32 s3, s2  }
0x8d: {  	s2 =	sadd.s32 s2, s17  }
0x8e: {  	[smem:$0x3FC5] =	sst s2  }
0x8f: {  	_ = 	snop  }
0x90: {  	s2 =	sld [smem:$0x3FC9]  }
0x91: {  	s18 =	sld [smem:$0x3FC7]  }
0x92: {  	s4 =	sld [smem:$0x3FD0];
	(tm) =	ssettm $0x1  }
0x93: {  	s5 =	sld [smem:$0x3FFB];
	_ =	sdelay $0x3  }
0x94: {  	_ =	strace s5  }
0x95: {  	s5 =	sld [smem:$0x3FFC];
	_ =	sdelay $0x3  }
0x96: {  	_ =	strace s5  }
0x97: {  	s5 =	sld [smem:$0x3FFD];
	_ =	sdelay $0x3  }
0x98: {  	_ =	strace s5  }
0x99: {  	_ =	strace $0x8FFFFFFF  }
0x9a: {  	s19 =	sld [smem:$0x3FDB];
	_ =	sdelay $0x1  }
0x9b: {  	s6 =	simm.s32 $_scs_section_size  }
0x9c: {  	s7 =	simm.s32 $_size__tile_overlayer_lowered;
	s8 =	simm.s32 $_tile_overlayer_lowered  }
0x9d: {  	s22 =	simm.s32 $0x1BFF;
	s21 =	sshll.u32 s8, $0x1;
	s5 =	sadd.s32 s6, s19  }
0x9e: {  	s9 =	simm.s32 $0x0;
	s20 =	sshll.u32 s7, $0x1;
	s7 =	sadd.s32 s21, s5  }
0x9f: {  	[timem:s9], [sflag:s22] =	dma.local [hbm:s7], s20  }
0xa0: {  	_ =	swait.ge [sflag:s22], s20  }
0xa1: {  	s6 =	ssub.s32 $0x0, s20;
	[sflag:s22] =	ssyncset.done $0x0  }
0xa2: {  	[sflag:s22] =	ssyncadd.s32 s6;
	_ =	sdelay $0x1  }
0xa3: {  	s23 =	simm.s32 $0x1B8B  }
0xa4: {  	_ =	swait.ge [sflag:s23], $0x1  }
0xa5: {  	[sflag:s23] =	ssyncset.done $0x0  }
0xa6: {  	s25 =	simm.s32 $0x1B8E;
	s24 =	sld [smem:$0x3FFE];
	[sflag:s23] =	ssyncadd.s32 $0xFFFFFFFF  }
0xa7: {  	s26 =	simm.s32 $execute0_lowered;
	[smem:$0x3FD2] =	sst s25  }
0xa8: {  	s7 =	sshll.u32 s26, $0x1;
	_ =	strace $0x80000046;
	[dreg:$0x1] =	wrdreg $0xFFFFFFFF  }
0xa9: {  	s28 =	simm.s32 $_size_execute0_lowered;
	s5 =	sadd.s32 s5, s7;
	[dreg:$0x0] =	wrdreg $0x0  }
0xaa: {  	s7 =	sshll.u32 s28, $0x1;
	[dreg:$0x2] =	wrdreg s5  }
0xab: {  	[dreg:$0x3] =	wrdreg s7  }
0xac: {  	[dreg:$0x4] =	wrdreg $0xC0  }
0xad: {  	_ =	task [dreg:s9], $0x5FFFF  }
0xae: {  	[dreg:$0x1] =	wrdreg $0xFFFFFFFF  }
0xaf: {  	[dreg:$0x0] =	wrdreg $0x60  }
0xb0: {  	[dreg:$0x2] =	wrdreg s2  }
0xb1: {  	[dreg:$0x3] =	wrdreg s24  }
0xb2: {  	[dreg:$0x4] =	wrdreg s18  }
0xb3: {  	[dreg:$0x5] =	wrdreg s4  }
0xb4: {  	[dreg:$0x6] =	wrdreg $0x9B000  }
0xb5: {  	[dreg:$0x7] =	wrdreg $0x9  }
0xb6: {  	_ =	task.clear_ibuf [dreg:s9], $0x8FFFF;
	_ =	strace $0x90000046  }
0xb7: {  	s29 =	simm.s32 $0x9;
	_ =	strace $0x80000048  }
0xb8: {  	_ =	swait.ge [sflag:s29], $0x1  }
0xb9: {  	[sflag:s29] =	ssyncadd.s32 $0xFFFFFFFF  }
0xba: {  	_ =	strace $0x90000048  }
0xbb: {  	_ =	sfence  }
0xbc: {  	s30 =	sld [smem:$0x0];
	_ =	sdelay $0x2  }
0xbd: {  	s31 =	sshll.u32 s1, $0xD;
	s1 =	sshrl.u32 s1, $0x2  }
0xbe: {  	s3 =	sand.u32 $0x4000, s31;
	s1 =	sadd.s32 s1, s30  }
0xbf: {  	s0 =	sor.u32 s3, s0;
	s1 =	sshll.u32 s1, $0x11  }
0xc0: {  	s0 =	sor.u32 s1, s0  }
0xc1: {  	s0 =	sadd.s32 $0x8F2B, s0  }
0xc2: {  	[sflag:s0] =	ssyncadd.remote.s32 $0x1  }
0xc3: {  	_ =	sfence.sel $0xFFFF  }
0xc4: {  	[dreg:$0x0] =	wrdreg $0xFFFFFFFF;
	(pc) =	sbr.abs _section_cstart, $3  }
0xc5: {  	[dreg:$0x1] =	wrdreg $0xFFFFFFFF  }
0xc6: {  	_ =	task.clear_ibuf [dreg:s9], $0x2FFFF;
	_ =	strace $0x9FFFFFFF  }
0xc7: {  	(tm) =	ssettm $0x7FFFFFFF  }
tec
execute0_lowered:
.L_overlay_start_1:
0x0: {  	(tag) =	ssettag $0x1  }
0x1: {  	s1 =	rddreg [dreg:$0x0]  }
0x2: {  	s0 =	rddreg [dreg:$0x1]  }
0x3: {  	s2 =	rddreg [dreg:$0x3]  }
0x4: {  	s3 =	rddreg [dreg:$0x4];
	s4 =	simm.s32 $0x0;
	s5 =	srdreg.scid  }
0x5: {  	s12 =	stileid.u32;
	s13 =	simm.s32 $0x80;
	s15 =	simm.s32 $0x100  }
0x6: {  	s17 =	simm.s32 $0x180;
	s18 =	simm.s32 $0x4;
	s19 =	simm.s32 $0x64  }
0x7: {  	s20 =	simm.s32 $0x300;
	s28 =	simm.s32 $0x7;
	s29 =	simm.s32 $0x6  }
0x8: {  	s30 =	simm.s32 $0x6700;
	s31 =	simm.s32 $0x1;
	[smem:$0x7FF] =	sst s4  }
0x9: {  	s0 =	sadd.s32 $0x400, s0;
	s5 =	sand.u32 $0x1, s5;
	s7 =	smul.u32 $0x50000, s12  }
0xa: {  	s6 =	sshll.u32 s12, $0x1;
	s9 =	smul.u32 $0x2800, s12;
	s12 =	sshll.u32 s12, $0x6  }
0xb: {  	_ =	strace $0x80000047;
	s8 =	ssub.s32 $0x2, s5;
	s6 =	sor.u32 s5, s6  }
0xc: {  	s5 =	smul.u32 $0x28000, s5;
	[dreg:$0x6] =	wrdreg s12;
	s22 =	sor.u32 $0x1C07, s12  }
0xd: {  	s10 =	sshrl.u32 s8, $0x1;
	s7 =	sshrl.u32 s7, $0x2;
	s11 =	smul.u32 $0x3400, s6  }
0xe: {  	s6 =	smul.u32 $0x680, s6;
	[dreg:$0x7] =	wrdreg s22;
	s22 =	simm.s32 $0x3500  }
0xf: {  	s10 =	ssub.s32 s8, s10;
	s7 =	sadd.s32 s7, s3;
	s5 =	sadd.s32 s9, s5  }
0x10: {  	s21 =	sshrl.u32 s11, $0x3;
	s8 =	sadd.s32 s0, s6;
	s24 =	sadd.s32 s2, s5  }
0x11: {  	s25 =	smax.u32 s10, $0x1;
	s12 =	sshrl.u32 s7, $0x3;
	s5 =	simm.s32 $0x2  }
0x12: {  	s2 =	simm.s32 $0x3;
	s7 =	simm.s32 $0x0;
	[dreg:$0x8] =	wrdreg s24  }
0x13: {  	s23 =	sadd.s32 s0, s21;
	[dreg:$0x9] =	wrdreg s25;
	s26 =	sadd.s32 $0x10, s8  }
0x14: {  	s21 =	simm.s32 $0x5;
	s24 =	simm.s32 $0x200;
	s0 =	simm.s32 $0x8  }
0x15: {  	s9 =	sadd.s32 $0xD000, s23;
	[dreg:$0xa] =	wrdreg s26;
	s23 =	sadd.s32 $0x20, s8  }
0x16: {  	s26 =	simm.s32 $0x280;
	s16 =	sadd.s32 $0x10, s9;
	s25 =	sadd.s32 $0x20, s9  }
.LBB2_1:
0x17: {  	s6 =	rddreg [dreg:$0x2]  }
0x18: {  	s10 =	rddreg [dreg:$0x7]  }
0x19: {  	[spmem:s12], [sflag:s10] =	dma.local [hbm:s6], $0x2800  }
0x1a: {  	[tilespmem:s4], [sflag:$0x4] =	stream.linear.gather [hbm4b:s8+s4], $0x80, $0x38;
	[tilespmem:$0x1DB00] =	vst v63  }
0x1b: {  	_ = 	snop  }
0x1c: {  	[tilespmem:s13], [sflag:$0x4] =	stream.linear.gather [hbm4b:s9+s4], $0x80, $0x38;
	[tilespmem:$0x1DB00] =	vst v63  }
0x1d: {  	s6 =	rddreg [dreg:$0xa]  }
0x1e: {  	[tilespmem:s15], [sflag:$0x5] =	stream.linear.gather [hbm4b:s6+s4], $0x80, $0x38;
	[tilespmem:$0x1DB00] =	vst v63  }
0x1f: {  	_ = 	snop  }
0x20: {  	[tilespmem:s17], [sflag:$0x5] =	stream.linear.gather [hbm4b:s16+s4], $0x80, $0x38;
	[tilespmem:$0x1DB00] =	vst v63  }
0x21: {  	_ =	swait.ge [sflag:s18], $0x80  }
0x22: {  	[sflag:s18] =	ssyncset.done $0x0  }
0x23: {  	[sflag:s18] =	ssyncadd.s32 $0xFFFFFF80  }
0x24: {  	_ =	swait.ge [sflag:s18], $0x80  }
0x25: {  	[sflag:s18] =	ssyncset.done $0x0  }
0x26: {  	[sflag:s18] =	ssyncadd.s32 $0xFFFFFF80  }
0x27: {  	[tilespmem:s20], [sflag:$0x1] =	stream.indirect.gather [hbm4b:s1+s19], $0x80, s4, s19, $0xb8;
	[tilespmem:$0x1DB00] =	vst v63  }
0x28: {  	_ =	swait.ge [sflag:s21], $0x80  }
0x29: {  	[sflag:s21] =	ssyncset.done $0x0  }
0x2a: {  	[sflag:s21] =	ssyncadd.s32 $0xFFFFFF80  }
0x2b: {  	_ =	swait.ge [sflag:s21], $0x80  }
0x2c: {  	[sflag:s21] =	ssyncset.done $0x0  }
0x2d: {  	[sflag:s21] =	ssyncadd.s32 $0xFFFFFF80  }
0x2e: {  	[tilespmem:s22], [sflag:$0x2] =	stream.indirect.gather [hbm4b:s1+s19], $0x80, s15, s19, $0xb8;
	[tilespmem:$0x1DB00] =	vst v63  }
0x2f: {  	_ = 	snop  }
0x30: {  	[tilespmem:s24], [sflag:$0x6] =	stream.linear.gather [hbm4b:s23+s4], $0x80, $0x38;
	[tilespmem:$0x1DB00] =	vst v63  }
0x31: {  	_ = 	snop  }
0x32: {  	[tilespmem:s26], [sflag:$0x6] =	stream.linear.gather [hbm4b:s25+s4], $0x80, $0x38;
	[tilespmem:$0x1DB00] =	vst v63  }
0x33: {  	_ =	swait.ge [sflag:s28], $0x2800  }
0x34: {  	[sflag:s28] =	ssyncset.done $0x0  }
0x35: {  	[sflag:s28] =	ssyncadd.s32 $0xFFFFD800  }
0x36: {  	[bflag:$0x0] =	sbarrier.arrive $0xFFFF  }
0x37: {  	_ =	swait.ge [sflag:s29], $0x80  }
0x38: {  	[sflag:s29] =	ssyncset.done $0x0  }
0x39: {  	[sflag:s29] =	ssyncadd.s32 $0xFFFFFF80  }
0x3a: {  	_ =	swait.ge [sflag:s29], $0x80  }
0x3b: {  	[sflag:s29] =	ssyncset.done $0x0  }
0x3c: {  	[sflag:s29] =	ssyncadd.s32 $0xFFFFFF80  }
0x3d: {  	[tilespmem:s30], [sflag:$0x3] =	stream.indirect.gather [hbm4b:s1+s19], $0x80, s24, s19, $0xb8;
	[tilespmem:$0x1DB00] =	vst v63  }
0x3e: {  	_ =	swait.ge [sflag:s31], $0x3200  }
0x3f: {  	[sflag:s31] =	ssyncset.done $0x0  }
0x40: {  	[sflag:s31] =	ssyncadd.s32 $0xFFFFCE00  }
0x41: {  	[spmem:s3] =	stream.indirect.scatter.add.f32 [tilespmem:s20], [sflag:$0x8], $0x80, s13, s19, $0xb8;
	[tilespmem:$0x1DB00] =	vst v63  }
0x42: {  	_ =	swait.ge [sflag:s0], $0x3200  }
0x43: {  	s6 =	sadd.s32 $0x0, s8;
	[sflag:s0] =	ssyncset.done $0x0  }
0x44: {  	s11 =	sadd.s32 $0x0, s9;
	s14 =	sadd.s32 $0x30, s6;
	[sflag:s0] =	ssyncadd.s32 $0xFFFFCE00  }
0x45: {  	[tilespmem:s4], [sflag:$0x4] =	stream.linear.gather [hbm4b:s14+s4], $0x80, $0x38;
	[tilespmem:$0x1DB00] =	vst v63  }
0x46: {  	s14 =	sadd.s32 $0x30, s11  }
0x47: {  	[tilespmem:s13], [sflag:$0x4] =	stream.linear.gather [hbm4b:s14+s4], $0x80, $0x38;
	[tilespmem:$0x1DB00] =	vst v63  }
0x48: {  	_ =	swait.ge [sflag:s18], $0x80  }
0x49: {  	[sflag:s18] =	ssyncset.done $0x0  }
0x4a: {  	[sflag:s18] =	ssyncadd.s32 $0xFFFFFF80  }
0x4b: {  	_ =	swait.ge [sflag:s18], $0x80  }
0x4c: {  	[sflag:s18] =	ssyncset.done $0x0  }
0x4d: {  	[sflag:s18] =	ssyncadd.s32 $0xFFFFFF80  }
0x4e: {  	[tilespmem:s20], [sflag:$0x1] =	stream.indirect.gather [hbm4b:s1+s19], $0x80, s4, s19, $0xb8;
	[tilespmem:$0x1DB00] =	vst v63  }
0x4f: {  	_ =	swait.ge [sflag:s5], $0x3200  }
0x50: {  	[sflag:s5] =	ssyncset.done $0x0  }
0x51: {  	[sflag:s5] =	ssyncadd.s32 $0xFFFFCE00  }
0x52: {  	[spmem:s3] =	stream.indirect.scatter.add.f32 [tilespmem:s22], [sflag:$0x8], $0x80, s17, s19, $0xb8;
	[tilespmem:$0x1DB00] =	vst v63  }
0x53: {  	_ =	swait.ge [sflag:s0], $0x3200  }
0x54: {  	[sflag:s0] =	ssyncset.done $0x0  }
0x55: {  	s14 =	sadd.s32 $0x40, s6;
	[sflag:s0] =	ssyncadd.s32 $0xFFFFCE00  }
0x56: {  	[tilespmem:s15], [sflag:$0x5] =	stream.linear.gather [hbm4b:s14+s4], $0x80, $0x38;
	[tilespmem:$0x1DB00] =	vst v63  }
0x57: {  	s14 =	sadd.s32 $0x40, s11  }
0x58: {  	[tilespmem:s17], [sflag:$0x5] =	stream.linear.gather [hbm4b:s14+s4], $0x80, $0x38;
	[tilespmem:$0x1DB00] =	vst v63  }
0x59: {  	_ =	swait.ge [sflag:s21], $0x80  }
0x5a: {  	[sflag:s21] =	ssyncset.done $0x0  }
0x5b: {  	[sflag:s21] =	ssyncadd.s32 $0xFFFFFF80  }
0x5c: {  	_ =	swait.ge [sflag:s21], $0x80  }
0x5d: {  	[sflag:s21] =	ssyncset.done $0x0  }
0x5e: {  	[sflag:s21] =	ssyncadd.s32 $0xFFFFFF80  }
0x5f: {  	[tilespmem:s22], [sflag:$0x2] =	stream.indirect.gather [hbm4b:s1+s19], $0x80, s15, s19, $0xb8;
	[tilespmem:$0x1DB00] =	vst v63  }
0x60: {  	_ =	swait.ge [sflag:s2], $0x3200  }
0x61: {  	[sflag:s2] =	ssyncset.done $0x0  }
0x62: {  	[sflag:s2] =	ssyncadd.s32 $0xFFFFCE00  }
0x63: {  	[spmem:s3] =	stream.indirect.scatter.add.f32 [tilespmem:s30], [sflag:$0x8], $0x80, s26, s19, $0xb8;
	[tilespmem:$0x1DB00] =	vst v63  }
0x64: {  	_ =	swait.ge [sflag:s0], $0x3200  }
0x65: {  	[sflag:s0] =	ssyncset.done $0x0  }
0x66: {  	s6 =	sadd.s32 $0x50, s6;
	[sflag:s0] =	ssyncadd.s32 $0xFFFFCE00  }
0x67: {  	[tilespmem:s24], [sflag:$0x6] =	stream.linear.gather [hbm4b:s6+s4], $0x80, $0x38;
	[tilespmem:$0x1DB00] =	vst v63  }
0x68: {  	s10 =	simm.s32 $0x30;
	s6 =	sadd.s32 $0x50, s11  }
.LBB2_2:
0x69: {  	[tilespmem:s26], [sflag:$0x6] =	stream.linear.gather [hbm4b:s6+s4], $0x80, $0x38;
	[tilespmem:$0x1DB00] =	vst v63  }
0x6a: {  	s6 =	smov.u32 s10  }
0x6b: {  	p0 =	sne.s32 s10, $0x5D0;
	s10 =	sadd.s32 $0x30, s10;
	_ =	swait.ge [sflag:s29], $0x80  }
0x6c: {  	[sflag:s29] =	ssyncset.done $0x0  }
0x6d: {  	[sflag:s29] =	ssyncadd.s32 $0xFFFFFF80  }
0x6e: {  	_ =	swait.ge [sflag:s29], $0x80  }
0x6f: {  	[sflag:s29] =	ssyncset.done $0x0  }
0x70: {  	[sflag:s29] =	ssyncadd.s32 $0xFFFFFF80  }
0x71: {  	[tilespmem:s30], [sflag:$0x3] =	stream.indirect.gather [hbm4b:s1+s19], $0x80, s24, s19, $0xb8;
	[tilespmem:$0x1DB00] =	vst v63  }
0x72: {  	_ =	swait.ge [sflag:s31], $0x3200  }
0x73: {  	[sflag:s31] =	ssyncset.done $0x0  }
0x74: {  	[sflag:s31] =	ssyncadd.s32 $0xFFFFCE00  }
0x75: {  	[spmem:s3] =	stream.indirect.scatter.add.f32 [tilespmem:s20], [sflag:$0x8], $0x80, s13, s19, $0xb8;
	[tilespmem:$0x1DB00] =	vst v63  }
0x76: {  	_ =	swait.ge [sflag:s0], $0x3200  }
0x77: {  	s11 =	sadd.s32 s6, s8;
	[sflag:s0] =	ssyncset.done $0x0  }
0x78: {  	s6 =	sadd.s32 s6, s9;
	s14 =	sadd.s32 $0x30, s11;
	[sflag:s0] =	ssyncadd.s32 $0xFFFFCE00  }
0x79: {  	[tilespmem:s4], [sflag:$0x4] =	stream.linear.gather [hbm4b:s14+s4], $0x80, $0x38;
	[tilespmem:$0x1DB00] =	vst v63  }
0x7a: {  	s14 =	sadd.s32 $0x30, s6  }
0x7b: {  	[tilespmem:s13], [sflag:$0x4] =	stream.linear.gather [hbm4b:s14+s4], $0x80, $0x38;
	[tilespmem:$0x1DB00] =	vst v63  }
0x7c: {  	_ =	swait.ge [sflag:s18], $0x80  }
0x7d: {  	[sflag:s18] =	ssyncset.done $0x0  }
0x7e: {  	[sflag:s18] =	ssyncadd.s32 $0xFFFFFF80  }
0x7f: {  	_ =	swait.ge [sflag:s18], $0x80  }
0x80: {  	[sflag:s18] =	ssyncset.done $0x0  }
0x81: {  	[sflag:s18] =	ssyncadd.s32 $0xFFFFFF80  }
0x82: {  	[tilespmem:s20], [sflag:$0x1] =	stream.indirect.gather [hbm4b:s1+s19], $0x80, s4, s19, $0xb8;
	[tilespmem:$0x1DB00] =	vst v63  }
0x83: {  	_ =	swait.ge [sflag:s5], $0x3200  }
0x84: {  	[sflag:s5] =	ssyncset.done $0x0  }
0x85: {  	[sflag:s5] =	ssyncadd.s32 $0xFFFFCE00  }
0x86: {  	[spmem:s3] =	stream.indirect.scatter.add.f32 [tilespmem:s22], [sflag:$0x8], $0x80, s17, s19, $0xb8;
	[tilespmem:$0x1DB00] =	vst v63  }
0x87: {  	_ =	swait.ge [sflag:s0], $0x3200  }
0x88: {  	[sflag:s0] =	ssyncset.done $0x0  }
0x89: {  	s14 =	sadd.s32 $0x40, s11;
	[sflag:s0] =	ssyncadd.s32 $0xFFFFCE00  }
0x8a: {  	[tilespmem:s15], [sflag:$0x5] =	stream.linear.gather [hbm4b:s14+s4], $0x80, $0x38;
	[tilespmem:$0x1DB00] =	vst v63  }
0x8b: {  	s14 =	sadd.s32 $0x40, s6  }
0x8c: {  	[tilespmem:s17], [sflag:$0x5] =	stream.linear.gather [hbm4b:s14+s4], $0x80, $0x38;
	[tilespmem:$0x1DB00] =	vst v63  }
0x8d: {  	_ =	swait.ge [sflag:s21], $0x80  }
0x8e: {  	[sflag:s21] =	ssyncset.done $0x0  }
0x8f: {  	[sflag:s21] =	ssyncadd.s32 $0xFFFFFF80  }
0x90: {  	_ =	swait.ge [sflag:s21], $0x80  }
0x91: {  	[sflag:s21] =	ssyncset.done $0x0  }
0x92: {  	[sflag:s21] =	ssyncadd.s32 $0xFFFFFF80  }
0x93: {  	[tilespmem:s22], [sflag:$0x2] =	stream.indirect.gather [hbm4b:s1+s19], $0x80, s15, s19, $0xb8;
	[tilespmem:$0x1DB00] =	vst v63  }
0x94: {  	_ =	swait.ge [sflag:s2], $0x3200  }
0x95: {  	[sflag:s2] =	ssyncset.done $0x0  }
0x96: {  	[sflag:s2] =	ssyncadd.s32 $0xFFFFCE00  }
0x97: {  	[spmem:s3] =	stream.indirect.scatter.add.f32 [tilespmem:s30], [sflag:$0x8], $0x80, s26, s19, $0xb8;
	[tilespmem:$0x1DB00] =	vst v63  }
.Ltmp0:
0x98: {  	_ =	swait.ge [sflag:s0], $0x3200;
	(pc) =	sbr.rel @p0 .LBB2_2-.Ltmp0, $4  }
0x99: {  	[sflag:s0] =	ssyncset.done $0x0  }
0x9a: {  	s11 =	sadd.s32 $0x50, s11;
	[sflag:s0] =	ssyncadd.s32 $0xFFFFCE00  }
0x9b: {  	[tilespmem:s24], [sflag:$0x6] =	stream.linear.gather [hbm4b:s11+s4], $0x80, $0x38;
	[tilespmem:$0x1DB00] =	vst v63  }
0x9c: {  	s6 =	sadd.s32 $0x50, s6  }
0x9d: {  	[tilespmem:s26], [sflag:$0x6] =	stream.linear.gather [hbm4b:s6+s4], $0x80, $0x38;
	[tilespmem:$0x1DB00] =	vst v63  }
0x9e: {  	_ =	swait.ge [sflag:s29], $0x80  }
0x9f: {  	[sflag:s29] =	ssyncset.done $0x0  }
0xa0: {  	[sflag:s29] =	ssyncadd.s32 $0xFFFFFF80  }
0xa1: {  	_ =	swait.ge [sflag:s29], $0x80  }
0xa2: {  	[sflag:s29] =	ssyncset.done $0x0  }
0xa3: {  	[sflag:s29] =	ssyncadd.s32 $0xFFFFFF80  }
0xa4: {  	[tilespmem:s30], [sflag:$0x3] =	stream.indirect.gather [hbm4b:s1+s19], $0x80, s24, s19, $0xb8;
	[tilespmem:$0x1DB00] =	vst v63  }
0xa5: {  	_ =	swait.ge [sflag:s31], $0x3200  }
0xa6: {  	[sflag:s31] =	ssyncset.done $0x0  }
0xa7: {  	[sflag:s31] =	ssyncadd.s32 $0xFFFFCE00  }
0xa8: {  	[spmem:s3] =	stream.indirect.scatter.add.f32 [tilespmem:s20], [sflag:$0x8], $0x80, s13, s19, $0xb8;
	[tilespmem:$0x1DB00] =	vst v63  }
0xa9: {  	_ =	swait.ge [sflag:s0], $0x3200  }
0xaa: {  	[sflag:s0] =	ssyncset.done $0x0  }
0xab: {  	s14 =	sadd.s32 $0x630, s8;
	[sflag:s0] =	ssyncadd.s32 $0xFFFFCE00  }
0xac: {  	[tilespmem:s4], [sflag:$0x4] =	stream.linear.gather [hbm4b:s14+s4], $0x80, $0x38;
	[tilespmem:$0x1DB00] =	vst v63  }
0xad: {  	s10 =	sadd.s32 $0x630, s9  }
0xae: {  	[tilespmem:s13], [sflag:$0x4] =	stream.linear.gather [hbm4b:s10+s4], $0x80, $0x38;
	[tilespmem:$0x1DB00] =	vst v63  }
0xaf: {  	_ =	swait.ge [sflag:s18], $0x80  }
0xb0: {  	[sflag:s18] =	ssyncset.done $0x0  }
0xb1: {  	[sflag:s18] =	ssyncadd.s32 $0xFFFFFF80  }
0xb2: {  	_ =	swait.ge [sflag:s18], $0x80  }
0xb3: {  	[sflag:s18] =	ssyncset.done $0x0  }
0xb4: {  	[sflag:s18] =	ssyncadd.s32 $0xFFFFFF80  }
0xb5: {  	[tilespmem:s20], [sflag:$0x1] =	stream.indirect.gather [hbm4b:s1+s19], $0x80, s4, s19, $0xb8;
	[tilespmem:$0x1DB00] =	vst v63  }
0xb6: {  	_ =	swait.ge [sflag:s5], $0x3200  }
0xb7: {  	[sflag:s5] =	ssyncset.done $0x0  }
0xb8: {  	[sflag:s5] =	ssyncadd.s32 $0xFFFFCE00  }
0xb9: {  	[spmem:s3] =	stream.indirect.scatter.add.f32 [tilespmem:s22], [sflag:$0x8], $0x80, s17, s19, $0xb8;
	[tilespmem:$0x1DB00] =	vst v63  }
0xba: {  	_ =	swait.ge [sflag:s0], $0x3200  }
0xbb: {  	[sflag:s0] =	ssyncset.done $0x0  }
0xbc: {  	[sflag:s0] =	ssyncadd.s32 $0xFFFFCE00  }
0xbd: {  	_ =	swait.ge [sflag:s2], $0x3200  }
0xbe: {  	[sflag:s2] =	ssyncset.done $0x0  }
0xbf: {  	[sflag:s2] =	ssyncadd.s32 $0xFFFFCE00  }
0xc0: {  	[spmem:s3] =	stream.indirect.scatter.add.f32 [tilespmem:s30], [sflag:$0x8], $0x80, s26, s19, $0xb8;
	[tilespmem:$0x1DB00] =	vst v63  }
0xc1: {  	_ =	swait.ge [sflag:s0], $0x3200  }
0xc2: {  	[sflag:s0] =	ssyncset.done $0x0  }
0xc3: {  	[sflag:s0] =	ssyncadd.s32 $0xFFFFCE00  }
0xc4: {  	_ =	swait.ge [sflag:s31], $0x3200  }
0xc5: {  	[sflag:s31] =	ssyncset.done $0x0  }
0xc6: {  	[sflag:s31] =	ssyncadd.s32 $0xFFFFCE00  }
0xc7: {  	[spmem:s3] =	stream.indirect.scatter.add.f32 [tilespmem:s20], [sflag:$0x8], $0x80, s13, s19, $0xb8;
	[tilespmem:$0x1DB00] =	vst v63  }
0xc8: {  	_ =	swait.ge [sflag:s0], $0x3200  }
0xc9: {  	[sflag:s0] =	ssyncset.done $0x0  }
0xca: {  	[sflag:s0] =	ssyncadd.s32 $0xFFFFCE00  }
0xcb: {  	[bflag:$0x0] =	sbarrier.arrive $0xFFFF  }
0xcc: {  	s11 =	rddreg [dreg:$0x6]  }
0xcd: {  	s10 =	rddreg [dreg:$0x8];
	s6 =	sor.u32 $0x1C08, s11  }
0xce: {  	[hbm:s10], [sflag:s6] =	dma.local [spmem:s12], $0x2800  }
0xcf: {  	_ =	swait.ge [sflag:s0], $0x2800  }
0xd0: {  	s7 =	sadd.s32 $0x1, s7;
	s14 =	rddreg [dreg:$0x9]  }
0xd1: {  	p0 =	sne.s32 s7, s14  }
.Ltmp1:
0xd2: {  	_ = 	snop;
	(pc) =	sbr.rel @p0 .LBB2_1-.Ltmp1, $3  }
0xd3: {  	_ =	sdelay $0x1  }
0xd4: {  	[sflag:s0] =	ssyncset.done $0x0  }
0xd5: {  	[sflag:s0] =	ssyncadd.s32 $0xFFFFD800  }
0xd6: {  	_ =	sfence.sel $0x180000  }
0xd7: {  	[bflag:$0x0] =	sbarrier.arrive $0xFFFF  }
0xd8: {  	_ =	strace $0x90000047  }
0xd9: {  	s0 =	stileid.u32;
	[bflag:$0x2] =	sbarrier.arrive $0xFFFF  }
0xda: {  	p0 =	sne.s32 s0, $0x0;
	s0 =	rddreg [dreg:$0x5]  }
0xdb: {  	s0 =	sadd.s32 @!p0 $0x100000, s0  }
0xdc: {  	[sflag:s0] =	ssyncadd.tile.s32 @!p0 $0x1;
	_ =	shalt  }
.Lfunc_end2:
_tile_overlayer_lowered:
.L_overlay_start_2:
0xdd: {  	(tag) =	ssettag $0x2  }
0xde: {  	s0 =	rddreg [dreg:$0x0];
	s2 =	stileid.u32  }
0xdf: {  	s1 =	rddreg [dreg:$0x1];
	p0 =	sne.s32 s2, $0x0  }
0xe0: {  	s3 =	rddreg [dreg:$0x2];
	[bflag:$0x3] =	sbarrier.arrive $0xFFFF;
	s2 =	simm.s32 @!p0 $0x1C08  }
0xe1: {  	[timem:s3], [sflag:s2] =	dma.local @!p0 [hbm:s0], s1  }
0xe2: {  	s0 =	simm.s32 @!p0 $0x8  }
0xe3: {  	_ =	swait.ge @!p0 [sflag:s0], s1  }
0xe4: {  	s1 =	ssub.s32 @!p0 $0x0, s1;
	[sflag:s0] =	ssyncset.done @!p0 $0x0  }
0xe5: {  	[sflag:s0] =	ssyncadd.s32 @!p0 s1  }
0xe6: {  	[bflag:$0x3] =	sbarrier.arrive $0xFFFF  }
0xe7: {  	_ =	shalt  }

</sc_bundles>
